<compile_context>
chip_gen: v7x
topology: tpu7x:2x2x1
jax: 0.10.2.dev20260603
libtpu: 0.0.44.dev20260713+nightly
codegen_flags: <defaults>
</compile_context>

<pallas_src>
import functools

import jax
import jax.numpy as jnp
from jax import lax
from jax.experimental import pallas as pl
from jax.experimental.pallas import tpu as pltpu
from jax.experimental.pallas import tpu_sc as plsc

_IOU_THR = 0.6
_MAX_OUT = 100
_NS = 16
_PER = 1280
_NP = _NS * _PER
_VPT = _PER // 16
_OUT_PAD = 112


def _sc_body(n_real, num_classes,
             bt_hbm, st_hbm, out_f, out_i,
             scbuf, boxbuf, smbuf, lbbuf,
             stagef, valbuf, outfb, outib, s0buf,
             vals_sh):
    sid = lax.axis_index("s")
    base = sid * _PER
    l16 = lax.broadcasted_iota(jnp.int32, (16,), 0)

    nbox = 4 * _PER
    nsc = num_classes * _PER
    pltpu.sync_copy(bt_hbm.at[pl.ds(sid * nbox, nbox)],
                    boxbuf.at[pl.ds(0, nbox)])
    pltpu.sync_copy(st_hbm.at[pl.ds(sid * nsc, nsc)], scbuf)

    def _bx(row, off):
        return boxbuf[pl.ds(pl.multiple_of(row * _PER + off, 16), 16)]

    def class_chunk(j, carry):
        gm, gmi = carry
        off = j * 16
        m = jnp.full((16,), -1.0, jnp.float32)
        lab = jnp.zeros((16,), jnp.int32)

        def cbody(k, carry2):
            mc, lc = carry2
            for cc in range(8):
                c = k * 8 + cc
                v = scbuf[pl.ds(pl.multiple_of(c * _PER + off, 16), 16)]
                gt = v > mc
                mc = jnp.where(gt, v, mc)
                lc = jnp.where(gt, c, lc)
            return mc, lc

        m, lab = lax.fori_loop(0, num_classes // 8, cbody, (m, lab))
        gidxv = base + off + l16
        sm = jnp.where(gidxv < n_real, m, -1.0)
        smbuf[pl.ds(off, 16)] = sm
        lbbuf[pl.ds(off, 16)] = lab
        gt = sm > gm
        return jnp.where(gt, sm, gm), jnp.where(gt, gidxv, gmi)

    gm0 = jnp.full((16,), -2.0, jnp.float32)
    gmi0 = jnp.zeros((16,), jnp.int32)
    gm, gmi = lax.fori_loop(0, _VPT, class_chunk, (gm0, gmi0))
    s0buf[0] = smbuf[pl.ds(0, 16)][0]

    def nms_iter(i, carry):
        gm, gmi = carry
        bv = gm[0]
        bi = gmi[0]
        for l in range(1, 16):
            sv = gm[l]
            si = gmi[l]
            upd = (sv > bv) | ((sv == bv) & (si < bi))
            bv = jnp.where(upd, sv, bv)
            bi = jnp.where(upd, si, bi)
        lli = bi - base
        bx1 = boxbuf[pl.ds(0 * _PER + lli, 16)][0]
        by1 = boxbuf[pl.ds(1 * _PER + lli, 16)][0]
        bx2 = boxbuf[pl.ds(2 * _PER + lli, 16)][0]
        by2 = boxbuf[pl.ds(3 * _PER + lli, 16)][0]
        sval = smbuf[pl.ds(lli, 16)][0]
        lbl = lbbuf[pl.ds(lli, 16)][0]
        rowf = jnp.where(l16 == 0, bx1,
               jnp.where(l16 == 1, by1,
               jnp.where(l16 == 2, bx2,
               jnp.where(l16 == 3, by2,
               jnp.where(l16 == 4, sval,
               jnp.where(l16 == 6, lbl.astype(jnp.float32),
               jnp.where(l16 == 7, bi.astype(jnp.float32), bv)))))))
        stagef[...] = rowf
        po = pl.multiple_of((i % 2) * (_NS * 16), 16)
        soff = pl.multiple_of(po + sid * 16, 16)
        pltpu.sync_copy(stagef, vals_sh.at[pl.ds(soff, 16)])
        plsc.subcore_barrier()
        pltpu.sync_copy(vals_sh.at[pl.ds(po, _NS * 16)], valbuf)

        r0 = valbuf[pl.ds(0, 16)]
        bmax = r0[5]
        bidx = r0[7]
        bt_row = 0
        for r in range(1, _NS):
            rr = valbuf[pl.ds(r * 16, 16)]
            rv = rr[5]
            ri = rr[7]
            upd = (rv > bmax) | ((rv == bmax) & (ri < bidx))
            bmax = jnp.where(upd, rv, bmax)
            bidx = jnp.where(upd, ri, bidx)
            bt_row = jnp.where(upd, r, bt_row)
        any_alive = bmax >= 0.0
        wro = pl.multiple_of(bt_row * 16, 16)
        wrow_f = valbuf[pl.ds(wro, 16)]
        bx1 = wrow_f[0]
        by1 = wrow_f[1]
        bx2 = wrow_f[2]
        by2 = wrow_f[3]

        @pl.when(sid == 0)
        def _record():
            x0 = _bx(0, 0)[0]
            y0 = _bx(1, 0)[0]
            x20 = _bx(2, 0)[0]
            y20 = _bx(3, 0)[0]
            lb0 = lbbuf[pl.ds(0, 16)][0]
            rb1 = jnp.where(any_alive, bx1, x0)
            rb2 = jnp.where(any_alive, by1, y0)
            rb3 = jnp.where(any_alive, bx2, x20)
            rb4 = jnp.where(any_alive, by2, y20)
            rsc = jnp.where(any_alive, wrow_f[4], s0buf[0])
            rlb = jnp.where(any_alive, wrow_f[6].astype(jnp.int32), lb0)
            recf = jnp.where(l16 == 0, rb1,
                   jnp.where(l16 == 1, rb2,
                   jnp.where(l16 == 2, rb3,
                   jnp.where(l16 == 3, rb4, rsc))))
            reci = jnp.where(l16 == 0, rlb, 0)
            ro = pl.multiple_of(i * 16, 16)
            outfb[pl.ds(ro, 16)] = recf
            outib[pl.ds(ro, 16)] = reci

        area_b = (bx2 - bx1) * (by2 - by1)
        thr_eff = jnp.where(any_alive, _IOU_THR, -1.0)

        def iou_body(j, carry2):
            nm, nmi = carry2
            for cc in range(8):
                off = j * 128 + cc * 16
                x1v = _bx(0, off)
                y1v = _bx(1, off)
                x2v = _bx(2, off)
                y2v = _bx(3, off)
                smv = smbuf[pl.ds(off, 16)]
                av = (x2v - x1v) * (y2v - y1v)
                xx1 = jnp.maximum(x1v, bx1)
                yy1 = jnp.maximum(y1v, by1)
                xx2 = jnp.minimum(x2v, bx2)
                yy2 = jnp.minimum(y2v, by2)
                w = jnp.maximum(xx2 - xx1, 0.0)
                h = jnp.maximum(yy2 - yy1, 0.0)
                inter = w * h
                iou = inter / (av + area_b - inter + 1e-9)
                smn = jnp.where(iou <= thr_eff, smv, -1.0)
                smbuf[pl.ds(off, 16)] = smn
                gt = smn > nm
                nm = jnp.where(gt, smn, nm)
                nmi = jnp.where(gt, base + off + l16, nmi)
            return nm, nmi

        return lax.fori_loop(0, _VPT // 8, iou_body, (gm0, gmi0))

    lax.fori_loop(0, _MAX_OUT, nms_iter, (gm, gmi))

    @pl.when(sid == 0)
    def _write_out():
        pltpu.sync_copy(outfb, out_f)
        pltpu.sync_copy(outib, out_i)


def kernel(boxes, scores):
    n = boxes.shape[1]
    num_classes = scores.shape[2]
    boxes_f = boxes.reshape(n, 4)
    scores_f = scores.reshape(n, num_classes)
    pad = _NP - n
    bt = (jnp.pad(boxes_f, ((0, pad), (0, 0)))
          .reshape(_NS, _PER, 4).transpose(0, 2, 1).reshape(-1))
    st = (jnp.pad(scores_f, ((0, pad), (0, 0)))
          .reshape(_NS, _PER, num_classes).transpose(0, 2, 1).reshape(-1))

    mesh = plsc.VectorSubcoreMesh(
        core_axis_name="c", subcore_axis_name="s", num_cores=1)

    sc_nms = pl.kernel(
        functools.partial(_sc_body, n, num_classes),
        out_type=(
            jax.ShapeDtypeStruct((_OUT_PAD * 16,), jnp.float32),
            jax.ShapeDtypeStruct((_OUT_PAD * 16,), jnp.int32),
        ),
        mesh=mesh,
        scratch_types=[
            pltpu.VMEM((num_classes * _PER,), jnp.float32),
            pltpu.VMEM((4 * _PER + 16,), jnp.float32),
            pltpu.VMEM((_PER + 16,), jnp.float32),
            pltpu.VMEM((_PER + 16,), jnp.int32),
            pltpu.VMEM((16,), jnp.float32),
            pltpu.VMEM((_NS * 16,), jnp.float32),
            pltpu.VMEM((_OUT_PAD * 16,), jnp.float32),
            pltpu.VMEM((_OUT_PAD * 16,), jnp.int32),
            pltpu.SMEM((1,), jnp.float32),
            pltpu.VMEM_SHARED((2 * _NS * 16,), jnp.float32),
        ],
    )
    out_f, out_i = sc_nms(bt, st)
    wf = out_f.reshape(_OUT_PAD, 16)[:_MAX_OUT]
    wi = out_i.reshape(_OUT_PAD, 16)[:_MAX_OUT]
    return wf[:, :4][None], wf[:, 4][None], wi[:, 0][None]

# --- scband reference (transcript-rebuilt; emitter-appended) ---
"""Pipeline reference for scband-trtefficient-nms-73538430042611 (READ-ONLY COPY).

The authoritative reference and input builder live on the scoring server;
editing this copy changes nothing except your own understanding.
"""

import jax, jax.numpy as jnp
import numpy as np

IOU_THRESHOLD = 0.6
MAX_OUTPUT = 100


def _nms_indices(boxes, scores, iou_thr, max_out):
    # Greedy NMS returning up to max_out kept indices (padded with clipped last idx).
    N = boxes.shape[0]
    x1, y1, x2, y2 = boxes[:, 0], boxes[:, 1], boxes[:, 2], boxes[:, 3]
    areas = (x2 - x1) * (y2 - y1)

    def body(i, state):
        alive, keep = state
        masked = jnp.where(alive, scores, -jnp.inf)
        idx = jnp.argmax(masked).astype(jnp.int32)
        any_alive = jnp.any(alive)
        keep = keep.at[i].set(jnp.where(any_alive, idx, -1))
        bx1, by1, bx2, by2 = x1[idx], y1[idx], x2[idx], y2[idx]
        xx1 = jnp.maximum(x1, bx1)
        yy1 = jnp.maximum(y1, by1)
        xx2 = jnp.minimum(x2, bx2)
        yy2 = jnp.minimum(y2, by2)
        w = jnp.clip(xx2 - xx1, 0.0)
        h = jnp.clip(yy2 - yy1, 0.0)
        inter = w * h
        iou = inter / (areas + areas[idx] - inter + 1e-9)
        alive = alive & (iou <= iou_thr) & any_alive
        alive = alive.at[idx].set(False)
        return alive, keep

    alive0 = jnp.ones((N,), dtype=bool)
    keep0 = jnp.zeros((max_out,), dtype=jnp.int32)
    _, keep = jax.lax.fori_loop(0, max_out, body, (alive0, keep0))
    return keep


def setup_inputs(seed: int = 0):
    key = jax.random.key(seed)
    k1, k2, k3 = jax.random.split(key, 3)
    B, N, C = 1, 20000, 80
    # Build valid (x1, y1, x2, y2) boxes in a 640x640 image space
    xy = jax.random.uniform(k1, (B, N, 2), minval=0.0, maxval=512.0, dtype=jnp.float32)
    wh = jax.random.uniform(k2, (B, N, 2), minval=4.0, maxval=128.0, dtype=jnp.float32)
    boxes = jnp.concatenate([xy, xy + wh], axis=-1)
    scores = jax.random.uniform(k3, (B, N, C), dtype=jnp.float32)
    return {"boxes": boxes, "scores": scores}


def reference(boxes, scores):
    num_classes = scores.shape[-1]
    boxes_flat = boxes.reshape(-1, 4)
    scores_flat = scores.reshape(-1, num_classes)
    max_scores = jnp.max(scores_flat, axis=1)
    labels = jnp.argmax(scores_flat, axis=1)
    keep = _nms_indices(boxes_flat, max_scores, IOU_THRESHOLD, MAX_OUTPUT)
    keep = jnp.clip(keep, 0)
    return (boxes_flat[keep][None], max_scores[keep][None], labels[keep][None])

if __name__ == "__main__":
    import jax
    _d = setup_inputs()
    print(jax.jit(kernel)(*tuple(_d.values())))

</pallas_src>

<mosaic_0001>
#map = affine_map<(d0, d1) -> (0)>
module attributes {stable_mosaic.version = 14 : i64} {
  func.func @_sc_body(%arg0: i32, %arg1: i32, %arg2: memref<81920xf32, #tpu.memory_space<hbm>>, %arg3: memref<1638400xf32, #tpu.memory_space<hbm>>, %arg4: memref<1792xf32, #tpu.memory_space<hbm>>, %arg5: memref<1792xi32, #tpu.memory_space<hbm>>, %arg6: memref<102400xf32, #tpu.memory_space<vmem>>, %arg7: memref<5136xf32, #tpu.memory_space<vmem>>, %arg8: memref<1296xf32, #tpu.memory_space<vmem>>, %arg9: memref<1296xi32, #tpu.memory_space<vmem>>, %arg10: memref<16xf32, #tpu.memory_space<vmem>>, %arg11: memref<256xf32, #tpu.memory_space<vmem>>, %arg12: memref<1792xf32, #tpu.memory_space<vmem>>, %arg13: memref<1792xi32, #tpu.memory_space<vmem>>, %arg14: memref<1xf32, #tpu.memory_space<smem>>, %arg15: memref<512xf32, #tpu.memory_space<vmem_shared>>) attributes {dimension_semantics = [#tpu.dimension_semantics<core_parallel>, #tpu.dimension_semantics<subcore_parallel>], iteration_bounds = array<i64: 1, 16>, scalar_prefetch = 0 : i64, scratch_operands = 10 : i64, tpu.core_type = #tpu.core_type<sc_vector_subcore>, window_params = [{transform_indices = #map}, {transform_indices = #map}, {transform_indices = #map}, {transform_indices = #map}]} {
    %mul3A = arith.constant 1280 : i32
    %mul3A_0 = arith.muli %arg1, %mul3A : i32
    %iota3A = tpu.iota {dimensions = array<i32: 0>} : vector<16xi32>
    %mul3A_1 = arith.constant 5120 : i32
    %mul3A_2 = arith.muli %arg1, %mul3A_1 : i32
    "tpu.region"() ({
      %run_scoped3A = tpu.sem_alloc : memref<!tpu.dma_semaphore, #tpu.memory_space<semaphore_mem>>
      %dma_start3A = arith.constant 0 : i32
      %dma_start3A_25 = tpu.memref_slice %arg7[%dma_start3A] : memref<5136xf32, #tpu.memory_space<vmem>> -> memref<5120xf32, #tpu.memory_space<vmem>>
      %dma_start3A_26 = tpu.memref_slice %arg2[%mul3A_2] : memref<81920xf32, #tpu.memory_space<hbm>> -> memref<5120xf32, #tpu.memory_space<hbm>>
      %dma_start3A_27 = arith.constant 0 : i32
      %dma_start3A_28 = tpu.memref_slice %arg7[%dma_start3A_27] : memref<5136xf32, #tpu.memory_space<vmem>> -> memref<5120xf32, #tpu.memory_space<vmem>>
      %dma_start3A_29 = tpu.memref_slice %arg2[%mul3A_2] : memref<81920xf32, #tpu.memory_space<hbm>> -> memref<5120xf32, #tpu.memory_space<hbm>>
      tpu.enqueue_dma source(%dma_start3A_29 : memref<5120xf32, #tpu.memory_space<hbm>>) target(%dma_start3A_28 : memref<5120xf32, #tpu.memory_space<vmem>>) target_semaphore(%run_scoped3A : memref<!tpu.dma_semaphore, #tpu.memory_space<semaphore_mem>>)
      %dma_wait3A = arith.constant 0 : i32
      %dma_wait3A_30 = tpu.memref_slice %arg7[%dma_wait3A] : memref<5136xf32, #tpu.memory_space<vmem>> -> memref<5120xf32, #tpu.memory_space<vmem>>
      %dma_wait3A_31 = tpu.memref_slice %arg2[%mul3A_2] : memref<81920xf32, #tpu.memory_space<hbm>> -> memref<5120xf32, #tpu.memory_space<hbm>>
      %dma_wait3A_32 = arith.constant 0 : i32
      %dma_wait3A_33 = tpu.memref_slice %arg7[%dma_wait3A_32] : memref<5136xf32, #tpu.memory_space<vmem>> -> memref<5120xf32, #tpu.memory_space<vmem>>
      %dma_wait3A_34 = tpu.memref_slice %arg2[%mul3A_2] : memref<81920xf32, #tpu.memory_space<hbm>> -> memref<5120xf32, #tpu.memory_space<hbm>>
      tpu.wait_dma2 semaphore(%run_scoped3A : memref<!tpu.dma_semaphore, #tpu.memory_space<semaphore_mem>>) src(%dma_wait3A_34 : memref<5120xf32, #tpu.memory_space<hbm>>) dst(%dma_wait3A_33 : memref<5120xf32, #tpu.memory_space<vmem>>)
      tpu.yield
    }) : () -> ()
    %mul3A_3 = arith.constant 102400 : i32
    %mul3A_4 = arith.muli %arg1, %mul3A_3 : i32
    "tpu.region"() ({
      %run_scoped3A = tpu.sem_alloc : memref<!tpu.dma_semaphore, #tpu.memory_space<semaphore_mem>>
      %dma_start3A = tpu.memref_slice %arg3[%mul3A_4] : memref<1638400xf32, #tpu.memory_space<hbm>> -> memref<102400xf32, #tpu.memory_space<hbm>>
      %dma_start3A_25 = tpu.memref_slice %arg3[%mul3A_4] : memref<1638400xf32, #tpu.memory_space<hbm>> -> memref<102400xf32, #tpu.memory_space<hbm>>
      tpu.enqueue_dma source(%dma_start3A_25 : memref<102400xf32, #tpu.memory_space<hbm>>) target(%arg6 : memref<102400xf32, #tpu.memory_space<vmem>>) target_semaphore(%run_scoped3A : memref<!tpu.dma_semaphore, #tpu.memory_space<semaphore_mem>>)
      %dma_wait3A = tpu.memref_slice %arg3[%mul3A_4] : memref<1638400xf32, #tpu.memory_space<hbm>> -> memref<102400xf32, #tpu.memory_space<hbm>>
      %dma_wait3A_26 = tpu.memref_slice %arg3[%mul3A_4] : memref<1638400xf32, #tpu.memory_space<hbm>> -> memref<102400xf32, #tpu.memory_space<hbm>>
      tpu.wait_dma2 semaphore(%run_scoped3A : memref<!tpu.dma_semaphore, #tpu.memory_space<semaphore_mem>>) src(%dma_wait3A_26 : memref<102400xf32, #tpu.memory_space<hbm>>) dst(%arg6 : memref<102400xf32, #tpu.memory_space<vmem>>)
      tpu.yield
    }) : () -> ()
    %broadcast_in_dim3A = arith.constant -2.000000e+00 : f32
    %broadcast_in_dim3A_5 = vector.broadcast %broadcast_in_dim3A : f32 to vector<16xf32>
    %broadcast_in_dim3A_6 = arith.constant 0 : i32
    %broadcast_in_dim3A_7 = vector.broadcast %broadcast_in_dim3A_6 : i32 to vector<16xi32>
    %scan3A = arith.constant 0 : i32
    %scan3A_8 = arith.constant 80 : i32
    %scan3A_9 = arith.addi %scan3A, %scan3A_8 : i32
    %scan3A_10 = arith.constant 1 : i32
    %scan3A_11:2 = scf.for %scan3A_25 = %scan3A to %scan3A_9 step %scan3A_10 iter_args(%scan3A_26 = %broadcast_in_dim3A_5, %scan3A_27 = %broadcast_in_dim3A_7) -> (vector<16xf32>, vector<16xi32>)  : i32 {
      %mul3A_28 = arith.constant 16 : i32
      %mul3A_29 = arith.muli %scan3A_25, %mul3A_28 : i32
      %broadcast_in_dim3A_30 = arith.constant -1.000000e+00 : f32
      %broadcast_in_dim3A_31 = vector.broadcast %broadcast_in_dim3A_30 : f32 to vector<16xf32>
      %broadcast_in_dim3A_32 = arith.constant 0 : i32
      %broadcast_in_dim3A_33 = vector.broadcast %broadcast_in_dim3A_32 : i32 to vector<16xi32>
      %scan3A_34 = arith.constant 0 : i32
      %scan3A_35 = arith.constant 10 : i32
      %scan3A_36 = arith.addi %scan3A_34, %scan3A_35 : i32
      %scan3A_37 = arith.constant 1 : i32
      %scan3A_38:2 = scf.for %scan3A_55 = %scan3A_34 to %scan3A_36 step %scan3A_37 iter_args(%scan3A_56 = %broadcast_in_dim3A_31, %scan3A_57 = %broadcast_in_dim3A_33) -> (vector<16xf32>, vector<16xi32>)  : i32 {
        %mul3A_58 = arith.constant 8 : i32
        %mul3A_59 = arith.muli %scan3A_55, %mul3A_58 : i32
        %add3A_60 = arith.constant 0 : i32
        %add3A_61 = arith.addi %mul3A_59, %add3A_60 : i32
        %mul3A_62 = arith.constant 1280 : i32
        %mul3A_63 = arith.muli %add3A_61, %mul3A_62 : i32
        %add3A_64 = arith.addi %mul3A_63, %mul3A_29 : i32
        %multiple_of3A = tpu.assume_multiple %add3A_64, 16 : i32
        %get3A_65 = arith.index_cast %multiple_of3A : i32 to index
        %get3A_66 = tpu.vector_load %arg6[%get3A_65] {strides = array<i32>} : memref<102400xf32, #tpu.memory_space<vmem>>, vector<16xf32>,
        %get3A_67 = vector.shape_cast %get3A_66 : vector<16xf32> to vector<16xf32>
        %gt3A_68 = arith.cmpf ogt, %get3A_67, %scan3A_56 : vector<16xf32>
        %select_n3A_69 = arith.select %gt3A_68, %get3A_67, %scan3A_56 : vector<16xi1>, vector<16xf32>
        %broadcast_in_dim3A_70 = vector.broadcast %add3A_61 : i32 to vector<16xi32>
        %select_n3A_71 = arith.select %gt3A_68, %broadcast_in_dim3A_70, %scan3A_57 : vector<16xi1>, vector<16xi32>
        %mul3A_72 = arith.constant 8 : i32
        %mul3A_73 = arith.muli %scan3A_55, %mul3A_72 : i32
        %add3A_74 = arith.constant 1 : i32
        %add3A_75 = arith.addi %mul3A_73, %add3A_74 : i32
        %mul3A_76 = arith.constant 1280 : i32
        %mul3A_77 = arith.muli %add3A_75, %mul3A_76 : i32
        %add3A_78 = arith.addi %mul3A_77, %mul3A_29 : i32
        %multiple_of3A_79 = tpu.assume_multiple %add3A_78, 16 : i32
        %get3A_80 = arith.index_cast %multiple_of3A_79 : i32 to index
        %get3A_81 = tpu.vector_load %arg6[%get3A_80] {strides = array<i32>} : memref<102400xf32, #tpu.memory_space<vmem>>, vector<16xf32>,
        %get3A_82 = vector.shape_cast %get3A_81 : vector<16xf32> to vector<16xf32>
        %gt3A_83 = arith.cmpf ogt, %get3A_82, %select_n3A_69 : vector<16xf32>
        %select_n3A_84 = arith.select %gt3A_83, %get3A_82, %select_n3A_69 : vector<16xi1>, vector<16xf32>
        %broadcast_in_dim3A_85 = vector.broadcast %add3A_75 : i32 to vector<16xi32>
        %select_n3A_86 = arith.select %gt3A_83, %broadcast_in_dim3A_85, %select_n3A_71 : vector<16xi1>, vector<16xi32>
        %mul3A_87 = arith.constant 8 : i32
        %mul3A_88 = arith.muli %scan3A_55, %mul3A_87 : i32
        %add3A_89 = arith.constant 2 : i32
        %add3A_90 = arith.addi %mul3A_88, %add3A_89 : i32
        %mul3A_91 = arith.constant 1280 : i32
        %mul3A_92 = arith.muli %add3A_90, %mul3A_91 : i32
        %add3A_93 = arith.addi %mul3A_92, %mul3A_29 : i32
        %multiple_of3A_94 = tpu.assume_multiple %add3A_93, 16 : i32
        %get3A_95 = arith.index_cast %multiple_of3A_94 : i32 to index
        %get3A_96 = tpu.vector_load %arg6[%get3A_95] {strides = array<i32>} : memref<102400xf32, #tpu.memory_space<vmem>>, vector<16xf32>,
        %get3A_97 = vector.shape_cast %get3A_96 : vector<16xf32> to vector<16xf32>
        %gt3A_98 = arith.cmpf ogt, %get3A_97, %select_n3A_84 : vector<16xf32>
        %select_n3A_99 = arith.select %gt3A_98, %get3A_97, %select_n3A_84 : vector<16xi1>, vector<16xf32>
        %broadcast_in_dim3A_100 = vector.broadcast %add3A_90 : i32 to vector<16xi32>
        %select_n3A_101 = arith.select %gt3A_98, %broadcast_in_dim3A_100, %select_n3A_86 : vector<16xi1>, vector<16xi32>
        %mul3A_102 = arith.constant 8 : i32
        %mul3A_103 = arith.muli %scan3A_55, %mul3A_102 : i32
        %add3A_104 = arith.constant 3 : i32
        %add3A_105 = arith.addi %mul3A_103, %add3A_104 : i32
        %mul3A_106 = arith.constant 1280 : i32
        %mul3A_107 = arith.muli %add3A_105, %mul3A_106 : i32
        %add3A_108 = arith.addi %mul3A_107, %mul3A_29 : i32
        %multiple_of3A_109 = tpu.assume_multiple %add3A_108, 16 : i32
        %get3A_110 = arith.index_cast %multiple_of3A_109 : i32 to index
        %get3A_111 = tpu.vector_load %arg6[%get3A_110] {strides = array<i32>} : memref<102400xf32, #tpu.memory_space<vmem>>, vector<16xf32>,
        %get3A_112 = vector.shape_cast %get3A_111 : vector<16xf32> to vector<16xf32>
        %gt3A_113 = arith.cmpf ogt, %get3A_112, %select_n3A_99 : vector<16xf32>
        %select_n3A_114 = arith.select %gt3A_113, %get3A_112, %select_n3A_99 : vector<16xi1>, vector<16xf32>
        %broadcast_in_dim3A_115 = vector.broadcast %add3A_105 : i32 to vector<16xi32>
        %select_n3A_116 = arith.select %gt3A_113, %broadcast_in_dim3A_115, %select_n3A_101 : vector<16xi1>, vector<16xi32>
        %mul3A_117 = arith.constant 8 : i32
        %mul3A_118 = arith.muli %scan3A_55, %mul3A_117 : i32
        %add3A_119 = arith.constant 4 : i32
        %add3A_120 = arith.addi %mul3A_118, %add3A_119 : i32
        %mul3A_121 = arith.constant 1280 : i32
        %mul3A_122 = arith.muli %add3A_120, %mul3A_121 : i32
        %add3A_123 = arith.addi %mul3A_122, %mul3A_29 : i32
        %multiple_of3A_124 = tpu.assume_multiple %add3A_123, 16 : i32
        %get3A_125 = arith.index_cast %multiple_of3A_124 : i32 to index
        %get3A_126 = tpu.vector_load %arg6[%get3A_125] {strides = array<i32>} : memref<102400xf32, #tpu.memory_space<vmem>>, vector<16xf32>,
        %get3A_127 = vector.shape_cast %get3A_126 : vector<16xf32> to vector<16xf32>
        %gt3A_128 = arith.cmpf ogt, %get3A_127, %select_n3A_114 : vector<16xf32>
        %select_n3A_129 = arith.select %gt3A_128, %get3A_127, %select_n3A_114 : vector<16xi1>, vector<16xf32>
        %broadcast_in_dim3A_130 = vector.broadcast %add3A_120 : i32 to vector<16xi32>
        %select_n3A_131 = arith.select %gt3A_128, %broadcast_in_dim3A_130, %select_n3A_116 : vector<16xi1>, vector<16xi32>
        %mul3A_132 = arith.constant 8 : i32
        %mul3A_133 = arith.muli %scan3A_55, %mul3A_132 : i32
        %add3A_134 = arith.constant 5 : i32
        %add3A_135 = arith.addi %mul3A_133, %add3A_134 : i32
        %mul3A_136 = arith.constant 1280 : i32
        %mul3A_137 = arith.muli %add3A_135, %mul3A_136 : i32
        %add3A_138 = arith.addi %mul3A_137, %mul3A_29 : i32
        %multiple_of3A_139 = tpu.assume_multiple %add3A_138, 16 : i32
        %get3A_140 = arith.index_cast %multiple_of3A_139 : i32 to index
        %get3A_141 = tpu.vector_load %arg6[%get3A_140] {strides = array<i32>} : memref<102400xf32, #tpu.memory_space<vmem>>, vector<16xf32>,
        %get3A_142 = vector.shape_cast %get3A_141 : vector<16xf32> to vector<16xf32>
        %gt3A_143 = arith.cmpf ogt, %get3A_142, %select_n3A_129 : vector<16xf32>
        %select_n3A_144 = arith.select %gt3A_143, %get3A_142, %select_n3A_129 : vector<16xi1>, vector<16xf32>
        %broadcast_in_dim3A_145 = vector.broadcast %add3A_135 : i32 to vector<16xi32>
        %select_n3A_146 = arith.select %gt3A_143, %broadcast_in_dim3A_145, %select_n3A_131 : vector<16xi1>, vector<16xi32>
        %mul3A_147 = arith.constant 8 : i32
        %mul3A_148 = arith.muli %scan3A_55, %mul3A_147 : i32
        %add3A_149 = arith.constant 6 : i32
        %add3A_150 = arith.addi %mul3A_148, %add3A_149 : i32
        %mul3A_151 = arith.constant 1280 : i32
        %mul3A_152 = arith.muli %add3A_150, %mul3A_151 : i32
        %add3A_153 = arith.addi %mul3A_152, %mul3A_29 : i32
        %multiple_of3A_154 = tpu.assume_multiple %add3A_153, 16 : i32
        %get3A_155 = arith.index_cast %multiple_of3A_154 : i32 to index
        %get3A_156 = tpu.vector_load %arg6[%get3A_155] {strides = array<i32>} : memref<102400xf32, #tpu.memory_space<vmem>>, vector<16xf32>,
        %get3A_157 = vector.shape_cast %get3A_156 : vector<16xf32> to vector<16xf32>
        %gt3A_158 = arith.cmpf ogt, %get3A_157, %select_n3A_144 : vector<16xf32>
        %select_n3A_159 = arith.select %gt3A_158, %get3A_157, %select_n3A_144 : vector<16xi1>, vector<16xf32>
        %broadcast_in_dim3A_160 = vector.broadcast %add3A_150 : i32 to vector<16xi32>
        %select_n3A_161 = arith.select %gt3A_158, %broadcast_in_dim3A_160, %select_n3A_146 : vector<16xi1>, vector<16xi32>
        %mul3A_162 = arith.constant 8 : i32
        %mul3A_163 = arith.muli %scan3A_55, %mul3A_162 : i32
        %add3A_164 = arith.constant 7 : i32
        %add3A_165 = arith.addi %mul3A_163, %add3A_164 : i32
        %mul3A_166 = arith.constant 1280 : i32
        %mul3A_167 = arith.muli %add3A_165, %mul3A_166 : i32
        %add3A_168 = arith.addi %mul3A_167, %mul3A_29 : i32
        %multiple_of3A_169 = tpu.assume_multiple %add3A_168, 16 : i32
        %get3A_170 = arith.index_cast %multiple_of3A_169 : i32 to index
        %get3A_171 = tpu.vector_load %arg6[%get3A_170] {strides = array<i32>} : memref<102400xf32, #tpu.memory_space<vmem>>, vector<16xf32>,
        %get3A_172 = vector.shape_cast %get3A_171 : vector<16xf32> to vector<16xf32>
        %gt3A_173 = arith.cmpf ogt, %get3A_172, %select_n3A_159 : vector<16xf32>
        %select_n3A_174 = arith.select %gt3A_173, %get3A_172, %select_n3A_159 : vector<16xi1>, vector<16xf32>
        %broadcast_in_dim3A_175 = vector.broadcast %add3A_165 : i32 to vector<16xi32>
        %select_n3A_176 = arith.select %gt3A_173, %broadcast_in_dim3A_175, %select_n3A_161 : vector<16xi1>, vector<16xi32>
        scf.yield %select_n3A_174, %select_n3A_176 : vector<16xf32>, vector<16xi32>
      }
      %scan3A_39 = arith.constant 10 : i32
      %add3A = arith.addi %mul3A_0, %mul3A_29 : i32
      %add3A_40 = vector.broadcast %add3A : i32 to vector<16xi32>
      %add3A_41 = arith.addi %add3A_40, %iota3A : vector<16xi32>
      %lt3A = arith.constant 20000 : i32
      %lt3A_42 = vector.broadcast %lt3A : i32 to vector<16xi32>
      %lt3A_43 = arith.cmpi slt, %add3A_41, %lt3A_42 : vector<16xi32>
      %jit3A = arith.constant -1.000000e+00 : f32
      %broadcast_in_dim3A_44 = vector.broadcast %jit3A : f32 to vector<16xf32>
      %select_n3A = arith.select %lt3A_43, %scan3A_38#0, %broadcast_in_dim3A_44 : vector<16xi1>, vector<16xf32>
      %swap3A_45 = arith.index_cast %mul3A_29 : i32 to index
      %swap3A_46 = tpu.vector_load %arg8[%swap3A_45] {strides = array<i32>} : memref<1296xf32, #tpu.memory_space<vmem>>, vector<16xf32>,
      %swap3A_47 = vector.shape_cast %swap3A_46 : vector<16xf32> to vector<16xf32>
      %swap3A_48 = vector.shape_cast %select_n3A : vector<16xf32> to vector<16xf32>
      tpu.vector_store %arg8[%swap3A_45], %swap3A_48 {strides = array<i32>} : memref<1296xf32, #tpu.memory_space<vmem>>, vector<16xf32>,
      %swap3A_49 = arith.index_cast %mul3A_29 : i32 to index
      %swap3A_50 = tpu.vector_load %arg9[%swap3A_49] {strides = array<i32>} : memref<1296xi32, #tpu.memory_space<vmem>>, vector<16xi32>,
      %swap3A_51 = vector.shape_cast %swap3A_50 : vector<16xi32> to vector<16xi32>
      %swap3A_52 = vector.shape_cast %scan3A_38#1 : vector<16xi32> to vector<16xi32>
      tpu.vector_store %arg9[%swap3A_49], %swap3A_52 {strides = array<i32>} : memref<1296xi32, #tpu.memory_space<vmem>>, vector<16xi32>,
      %gt3A = arith.cmpf ogt, %select_n3A, %scan3A_26 : vector<16xf32>
      %select_n3A_53 = arith.select %gt3A, %select_n3A, %scan3A_26 : vector<16xi1>, vector<16xf32>
      %select_n3A_54 = arith.select %gt3A, %add3A_41, %scan3A_27 : vector<16xi1>, vector<16xi32>
      scf.yield %select_n3A_53, %select_n3A_54 : vector<16xf32>, vector<16xi32>
    }
    %scan3A_12 = arith.constant 80 : i32
    %get3A = arith.constant 0 : index
    %get3A_13 = tpu.vector_load %arg8[%get3A] {strides = array<i32>} : memref<1296xf32, #tpu.memory_space<vmem>>, vector<16xf32>,
    %get3A_14 = vector.shape_cast %get3A_13 : vector<16xf32> to vector<16xf32>
    %slice3A = vector.extract_strided_slice %get3A_14 {offsets = [0], sizes = [1], strides = [1]} : vector<16xf32> to vector<1xf32>
    %squeeze3A = vector.extract %slice3A[0] : f32 from vector<1xf32>
    %swap3A = arith.constant 0 : i32
    %swap3A_15 = arith.index_cast %swap3A : i32 to index
    %swap3A_16 = memref.load %arg14[%swap3A_15] : memref<1xf32, #tpu.memory_space<smem>>
    memref.store %squeeze3A, %arg14[%swap3A_15] : memref<1xf32, #tpu.memory_space<smem>>
    %scan3A_17 = arith.constant 0 : i32
    %scan3A_18 = arith.constant 100 : i32
    %scan3A_19 = arith.addi %scan3A_17, %scan3A_18 : i32
    %scan3A_20 = arith.constant 1 : i32
    %scan3A_21:2 = scf.for %scan3A_25 = %scan3A_17 to %scan3A_19 step %scan3A_20 iter_args(%scan3A_26 = %scan3A_11#0, %scan3A_27 = %scan3A_11#1) -> (vector<16xf32>, vector<16xi32>)  : i32 {
      %slice3A_28 = vector.extract_strided_slice %scan3A_26 {offsets = [0], sizes = [1], strides = [1]} : vector<16xf32> to vector<1xf32>
      %squeeze3A_29 = vector.extract %slice3A_28[0] : f32 from vector<1xf32>
      %slice3A_30 = vector.extract_strided_slice %scan3A_27 {offsets = [0], sizes = [1], strides = [1]} : vector<16xi32> to vector<1xi32>
      %squeeze3A_31 = vector.extract %slice3A_30[0] : i32 from vector<1xi32>
      %slice3A_32 = vector.extract_strided_slice %scan3A_26 {offsets = [1], sizes = [1], strides = [1]} : vector<16xf32> to vector<1xf32>
      %squeeze3A_33 = vector.extract %slice3A_32[0] : f32 from vector<1xf32>
      %slice3A_34 = vector.extract_strided_slice %scan3A_27 {offsets = [1], sizes = [1], strides = [1]} : vector<16xi32> to vector<1xi32>
      %squeeze3A_35 = vector.extract %slice3A_34[0] : i32 from vector<1xi32>
      %gt3A = arith.cmpf ogt, %squeeze3A_33, %squeeze3A_29 : f32
      %eq3A_36 = arith.cmpf oeq, %squeeze3A_33, %squeeze3A_29 : f32
      %lt3A = arith.cmpi slt, %squeeze3A_35, %squeeze3A_31 : i32
      %and3A = arith.andi %eq3A_36, %lt3A : i1
      %or3A = arith.ori %gt3A, %and3A : i1
      %select_n3A = arith.select %or3A, %squeeze3A_33, %squeeze3A_29 : f32
      %select_n3A_37 = arith.select %or3A, %squeeze3A_35, %squeeze3A_31 : i32
      %slice3A_38 = vector.extract_strided_slice %scan3A_26 {offsets = [2], sizes = [1], strides = [1]} : vector<16xf32> to vector<1xf32>
      %squeeze3A_39 = vector.extract %slice3A_38[0] : f32 from vector<1xf32>
      %slice3A_40 = vector.extract_strided_slice %scan3A_27 {offsets = [2], sizes = [1], strides = [1]} : vector<16xi32> to vector<1xi32>
      %squeeze3A_41 = vector.extract %slice3A_40[0] : i32 from vector<1xi32>
      %gt3A_42 = arith.cmpf ogt, %squeeze3A_39, %select_n3A : f32
      %eq3A_43 = arith.cmpf oeq, %squeeze3A_39, %select_n3A : f32
      %lt3A_44 = arith.cmpi slt, %squeeze3A_41, %select_n3A_37 : i32
      %and3A_45 = arith.andi %eq3A_43, %lt3A_44 : i1
      %or3A_46 = arith.ori %gt3A_42, %and3A_45 : i1
      %select_n3A_47 = arith.select %or3A_46, %squeeze3A_39, %select_n3A : f32
      %select_n3A_48 = arith.select %or3A_46, %squeeze3A_41, %select_n3A_37 : i32
      %slice3A_49 = vector.extract_strided_slice %scan3A_26 {offsets = [3], sizes = [1], strides = [1]} : vector<16xf32> to vector<1xf32>
      %squeeze3A_50 = vector.extract %slice3A_49[0] : f32 from vector<1xf32>
      %slice3A_51 = vector.extract_strided_slice %scan3A_27 {offsets = [3], sizes = [1], strides = [1]} : vector<16xi32> to vector<1xi32>
      %squeeze3A_52 = vector.extract %slice3A_51[0] : i32 from vector<1xi32>
      %gt3A_53 = arith.cmpf ogt, %squeeze3A_50, %select_n3A_47 : f32
      %eq3A_54 = arith.cmpf oeq, %squeeze3A_50, %select_n3A_47 : f32
      %lt3A_55 = arith.cmpi slt, %squeeze3A_52, %select_n3A_48 : i32
      %and3A_56 = arith.andi %eq3A_54, %lt3A_55 : i1
      %or3A_57 = arith.ori %gt3A_53, %and3A_56 : i1
      %select_n3A_58 = arith.select %or3A_57, %squeeze3A_50, %select_n3A_47 : f32
      %select_n3A_59 = arith.select %or3A_57, %squeeze3A_52, %select_n3A_48 : i32
      %slice3A_60 = vector.extract_strided_slice %scan3A_26 {offsets = [4], sizes = [1], strides = [1]} : vector<16xf32> to vector<1xf32>
      %squeeze3A_61 = vector.extract %slice3A_60[0] : f32 from vector<1xf32>
      %slice3A_62 = vector.extract_strided_slice %scan3A_27 {offsets = [4], sizes = [1], strides = [1]} : vector<16xi32> to vector<1xi32>
      %squeeze3A_63 = vector.extract %slice3A_62[0] : i32 from vector<1xi32>
      %gt3A_64 = arith.cmpf ogt, %squeeze3A_61, %select_n3A_58 : f32
      %eq3A_65 = arith.cmpf oeq, %squeeze3A_61, %select_n3A_58 : f32
      %lt3A_66 = arith.cmpi slt, %squeeze3A_63, %select_n3A_59 : i32
      %and3A_67 = arith.andi %eq3A_65, %lt3A_66 : i1
      %or3A_68 = arith.ori %gt3A_64, %and3A_67 : i1
      %select_n3A_69 = arith.select %or3A_68, %squeeze3A_61, %select_n3A_58 : f32
      %select_n3A_70 = arith.select %or3A_68, %squeeze3A_63, %select_n3A_59 : i32
      %slice3A_71 = vector.extract_strided_slice %scan3A_26 {offsets = [5], sizes = [1], strides = [1]} : vector<16xf32> to vector<1xf32>
      %squeeze3A_72 = vector.extract %slice3A_71[0] : f32 from vector<1xf32>
      %slice3A_73 = vector.extract_strided_slice %scan3A_27 {offsets = [5], sizes = [1], strides = [1]} : vector<16xi32> to vector<1xi32>
      %squeeze3A_74 = vector.extract %slice3A_73[0] : i32 from vector<1xi32>
      %gt3A_75 = arith.cmpf ogt, %squeeze3A_72, %select_n3A_69 : f32
      %eq3A_76 = arith.cmpf oeq, %squeeze3A_72, %select_n3A_69 : f32
      %lt3A_77 = arith.cmpi slt, %squeeze3A_74, %select_n3A_70 : i32
      %and3A_78 = arith.andi %eq3A_76, %lt3A_77 : i1
      %or3A_79 = arith.ori %gt3A_75, %and3A_78 : i1
      %select_n3A_80 = arith.select %or3A_79, %squeeze3A_72, %select_n3A_69 : f32
      %select_n3A_81 = arith.select %or3A_79, %squeeze3A_74, %select_n3A_70 : i32
      %slice3A_82 = vector.extract_strided_slice %scan3A_26 {offsets = [6], sizes = [1], strides = [1]} : vector<16xf32> to vector<1xf32>
      %squeeze3A_83 = vector.extract %slice3A_82[0] : f32 from vector<1xf32>
      %slice3A_84 = vector.extract_strided_slice %scan3A_27 {offsets = [6], sizes = [1], strides = [1]} : vector<16xi32> to vector<1xi32>
      %squeeze3A_85 = vector.extract %slice3A_84[0] : i32 from vector<1xi32>
      %gt3A_86 = arith.cmpf ogt, %squeeze3A_83, %select_n3A_80 : f32
      %eq3A_87 = arith.cmpf oeq, %squeeze3A_83, %select_n3A_80 : f32
      %lt3A_88 = arith.cmpi slt, %squeeze3A_85, %select_n3A_81 : i32
      %and3A_89 = arith.andi %eq3A_87, %lt3A_88 : i1
      %or3A_90 = arith.ori %gt3A_86, %and3A_89 : i1
      %select_n3A_91 = arith.select %or3A_90, %squeeze3A_83, %select_n3A_80 : f32
      %select_n3A_92 = arith.select %or3A_90, %squeeze3A_85, %select_n3A_81 : i32
      %slice3A_93 = vector.extract_strided_slice %scan3A_26 {offsets = [7], sizes = [1], strides = [1]} : vector<16xf32> to vector<1xf32>
      %squeeze3A_94 = vector.extract %slice3A_93[0] : f32 from vector<1xf32>
      %slice3A_95 = vector.extract_strided_slice %scan3A_27 {offsets = [7], sizes = [1], strides = [1]} : vector<16xi32> to vector<1xi32>
      %squeeze3A_96 = vector.extract %slice3A_95[0] : i32 from vector<1xi32>
      %gt3A_97 = arith.cmpf ogt, %squeeze3A_94, %select_n3A_91 : f32
      %eq3A_98 = arith.cmpf oeq, %squeeze3A_94, %select_n3A_91 : f32
      %lt3A_99 = arith.cmpi slt, %squeeze3A_96, %select_n3A_92 : i32
      %and3A_100 = arith.andi %eq3A_98, %lt3A_99 : i1
      %or3A_101 = arith.ori %gt3A_97, %and3A_100 : i1
      %select_n3A_102 = arith.select %or3A_101, %squeeze3A_94, %select_n3A_91 : f32
      %select_n3A_103 = arith.select %or3A_101, %squeeze3A_96, %select_n3A_92 : i32
      %slice3A_104 = vector.extract_strided_slice %scan3A_26 {offsets = [8], sizes = [1], strides = [1]} : vector<16xf32> to vector<1xf32>
      %squeeze3A_105 = vector.extract %slice3A_104[0] : f32 from vector<1xf32>
      %slice3A_106 = vector.extract_strided_slice %scan3A_27 {offsets = [8], sizes = [1], strides = [1]} : vector<16xi32> to vector<1xi32>
      %squeeze3A_107 = vector.extract %slice3A_106[0] : i32 from vector<1xi32>
      %gt3A_108 = arith.cmpf ogt, %squeeze3A_105, %select_n3A_102 : f32
      %eq3A_109 = arith.cmpf oeq, %squeeze3A_105, %select_n3A_102 : f32
      %lt3A_110 = arith.cmpi slt, %squeeze3A_107, %select_n3A_103 : i32
      %and3A_111 = arith.andi %eq3A_109, %lt3A_110 : i1
      %or3A_112 = arith.ori %gt3A_108, %and3A_111 : i1
      %select_n3A_113 = arith.select %or3A_112, %squeeze3A_105, %select_n3A_102 : f32
      %select_n3A_114 = arith.select %or3A_112, %squeeze3A_107, %select_n3A_103 : i32
      %slice3A_115 = vector.extract_strided_slice %scan3A_26 {offsets = [9], sizes = [1], strides = [1]} : vector<16xf32> to vector<1xf32>
      %squeeze3A_116 = vector.extract %slice3A_115[0] : f32 from vector<1xf32>
      %slice3A_117 = vector.extract_strided_slice %scan3A_27 {offsets = [9], sizes = [1], strides = [1]} : vector<16xi32> to vector<1xi32>
      %squeeze3A_118 = vector.extract %slice3A_117[0] : i32 from vector<1xi32>
      %gt3A_119 = arith.cmpf ogt, %squeeze3A_116, %select_n3A_113 : f32
      %eq3A_120 = arith.cmpf oeq, %squeeze3A_116, %select_n3A_113 : f32
      %lt3A_121 = arith.cmpi slt, %squeeze3A_118, %select_n3A_114 : i32
      %and3A_122 = arith.andi %eq3A_120, %lt3A_121 : i1
      %or3A_123 = arith.ori %gt3A_119, %and3A_122 : i1
      %select_n3A_124 = arith.select %or3A_123, %squeeze3A_116, %select_n3A_113 : f32
      %select_n3A_125 = arith.select %or3A_123, %squeeze3A_118, %select_n3A_114 : i32
      %slice3A_126 = vector.extract_strided_slice %scan3A_26 {offsets = [10], sizes = [1], strides = [1]} : vector<16xf32> to vector<1xf32>
      %squeeze3A_127 = vector.extract %slice3A_126[0] : f32 from vector<1xf32>
      %slice3A_128 = vector.extract_strided_slice %scan3A_27 {offsets = [10], sizes = [1], strides = [1]} : vector<16xi32> to vector<1xi32>
      %squeeze3A_129 = vector.extract %slice3A_128[0] : i32 from vector<1xi32>
      %gt3A_130 = arith.cmpf ogt, %squeeze3A_127, %select_n3A_124 : f32
      %eq3A_131 = arith.cmpf oeq, %squeeze3A_127, %select_n3A_124 : f32
      %lt3A_132 = arith.cmpi slt, %squeeze3A_129, %select_n3A_125 : i32
      %and3A_133 = arith.andi %eq3A_131, %lt3A_132 : i1
      %or3A_134 = arith.ori %gt3A_130, %and3A_133 : i1
      %select_n3A_135 = arith.select %or3A_134, %squeeze3A_127, %select_n3A_124 : f32
      %select_n3A_136 = arith.select %or3A_134, %squeeze3A_129, %select_n3A_125 : i32
      %slice3A_137 = vector.extract_strided_slice %scan3A_26 {offsets = [11], sizes = [1], strides = [1]} : vector<16xf32> to vector<1xf32>
      %squeeze3A_138 = vector.extract %slice3A_137[0] : f32 from vector<1xf32>
      %slice3A_139 = vector.extract_strided_slice %scan3A_27 {offsets = [11], sizes = [1], strides = [1]} : vector<16xi32> to vector<1xi32>
      %squeeze3A_140 = vector.extract %slice3A_139[0] : i32 from vector<1xi32>
      %gt3A_141 = arith.cmpf ogt, %squeeze3A_138, %select_n3A_135 : f32
      %eq3A_142 = arith.cmpf oeq, %squeeze3A_138, %select_n3A_135 : f32
      %lt3A_143 = arith.cmpi slt, %squeeze3A_140, %select_n3A_136 : i32
      %and3A_144 = arith.andi %eq3A_142, %lt3A_143 : i1
      %or3A_145 = arith.ori %gt3A_141, %and3A_144 : i1
      %select_n3A_146 = arith.select %or3A_145, %squeeze3A_138, %select_n3A_135 : f32
      %select_n3A_147 = arith.select %or3A_145, %squeeze3A_140, %select_n3A_136 : i32
      %slice3A_148 = vector.extract_strided_slice %scan3A_26 {offsets = [12], sizes = [1], strides = [1]} : vector<16xf32> to vector<1xf32>
      %squeeze3A_149 = vector.extract %slice3A_148[0] : f32 from vector<1xf32>
      %slice3A_150 = vector.extract_strided_slice %scan3A_27 {offsets = [12], sizes = [1], strides = [1]} : vector<16xi32> to vector<1xi32>
      %squeeze3A_151 = vector.extract %slice3A_150[0] : i32 from vector<1xi32>
      %gt3A_152 = arith.cmpf ogt, %squeeze3A_149, %select_n3A_146 : f32
      %eq3A_153 = arith.cmpf oeq, %squeeze3A_149, %select_n3A_146 : f32
      %lt3A_154 = arith.cmpi slt, %squeeze3A_151, %select_n3A_147 : i32
      %and3A_155 = arith.andi %eq3A_153, %lt3A_154 : i1
      %or3A_156 = arith.ori %gt3A_152, %and3A_155 : i1
      %select_n3A_157 = arith.select %or3A_156, %squeeze3A_149, %select_n3A_146 : f32
      %select_n3A_158 = arith.select %or3A_156, %squeeze3A_151, %select_n3A_147 : i32
      %slice3A_159 = vector.extract_strided_slice %scan3A_26 {offsets = [13], sizes = [1], strides = [1]} : vector<16xf32> to vector<1xf32>
      %squeeze3A_160 = vector.extract %slice3A_159[0] : f32 from vector<1xf32>
      %slice3A_161 = vector.extract_strided_slice %scan3A_27 {offsets = [13], sizes = [1], strides = [1]} : vector<16xi32> to vector<1xi32>
      %squeeze3A_162 = vector.extract %slice3A_161[0] : i32 from vector<1xi32>
      %gt3A_163 = arith.cmpf ogt, %squeeze3A_160, %select_n3A_157 : f32
      %eq3A_164 = arith.cmpf oeq, %squeeze3A_160, %select_n3A_157 : f32
      %lt3A_165 = arith.cmpi slt, %squeeze3A_162, %select_n3A_158 : i32
      %and3A_166 = arith.andi %eq3A_164, %lt3A_165 : i1
      %or3A_167 = arith.ori %gt3A_163, %and3A_166 : i1
      %select_n3A_168 = arith.select %or3A_167, %squeeze3A_160, %select_n3A_157 : f32
      %select_n3A_169 = arith.select %or3A_167, %squeeze3A_162, %select_n3A_158 : i32
      %slice3A_170 = vector.extract_strided_slice %scan3A_26 {offsets = [14], sizes = [1], strides = [1]} : vector<16xf32> to vector<1xf32>
      %squeeze3A_171 = vector.extract %slice3A_170[0] : f32 from vector<1xf32>
      %slice3A_172 = vector.extract_strided_slice %scan3A_27 {offsets = [14], sizes = [1], strides = [1]} : vector<16xi32> to vector<1xi32>
      %squeeze3A_173 = vector.extract %slice3A_172[0] : i32 from vector<1xi32>
      %gt3A_174 = arith.cmpf ogt, %squeeze3A_171, %select_n3A_168 : f32
      %eq3A_175 = arith.cmpf oeq, %squeeze3A_171, %select_n3A_168 : f32
      %lt3A_176 = arith.cmpi slt, %squeeze3A_173, %select_n3A_169 : i32
      %and3A_177 = arith.andi %eq3A_175, %lt3A_176 : i1
      %or3A_178 = arith.ori %gt3A_174, %and3A_177 : i1
      %select_n3A_179 = arith.select %or3A_178, %squeeze3A_171, %select_n3A_168 : f32
      %select_n3A_180 = arith.select %or3A_178, %squeeze3A_173, %select_n3A_169 : i32
      %slice3A_181 = vector.extract_strided_slice %scan3A_26 {offsets = [15], sizes = [1], strides = [1]} : vector<16xf32> to vector<1xf32>
      %squeeze3A_182 = vector.extract %slice3A_181[0] : f32 from vector<1xf32>
      %slice3A_183 = vector.extract_strided_slice %scan3A_27 {offsets = [15], sizes = [1], strides = [1]} : vector<16xi32> to vector<1xi32>
      %squeeze3A_184 = vector.extract %slice3A_183[0] : i32 from vector<1xi32>
      %gt3A_185 = arith.cmpf ogt, %squeeze3A_182, %select_n3A_179 : f32
      %eq3A_186 = arith.cmpf oeq, %squeeze3A_182, %select_n3A_179 : f32
      %lt3A_187 = arith.cmpi slt, %squeeze3A_184, %select_n3A_180 : i32
      %and3A_188 = arith.andi %eq3A_186, %lt3A_187 : i1
      %or3A_189 = arith.ori %gt3A_185, %and3A_188 : i1
      %select_n3A_190 = arith.select %or3A_189, %squeeze3A_182, %select_n3A_179 : f32
      %select_n3A_191 = arith.select %or3A_189, %squeeze3A_184, %select_n3A_180 : i32
      %sub3A = arith.subi %select_n3A_191, %mul3A_0 : i32
      %add3A = arith.constant 0 : i32
      %add3A_192 = arith.addi %add3A, %sub3A : i32
      %get3A_193 = arith.index_cast %add3A_192 : i32 to index
      %get3A_194 = tpu.vector_load %arg7[%get3A_193] {strides = array<i32>} : memref<5136xf32, #tpu.memory_space<vmem>>, vector<16xf32>,
      %get3A_195 = vector.shape_cast %get3A_194 : vector<16xf32> to vector<16xf32>
      %slice3A_196 = vector.extract_strided_slice %get3A_195 {offsets = [0], sizes = [1], strides = [1]} : vector<16xf32> to vector<1xf32>
      %squeeze3A_197 = vector.extract %slice3A_196[0] : f32 from vector<1xf32>
      %add3A_198 = arith.constant 1280 : i32
      %add3A_199 = arith.addi %add3A_198, %sub3A : i32
      %get3A_200 = arith.index_cast %add3A_199 : i32 to index
      %get3A_201 = tpu.vector_load %arg7[%get3A_200] {strides = array<i32>} : memref<5136xf32, #tpu.memory_space<vmem>>, vector<16xf32>,
      %get3A_202 = vector.shape_cast %get3A_201 : vector<16xf32> to vector<16xf32>
      %slice3A_203 = vector.extract_strided_slice %get3A_202 {offsets = [0], sizes = [1], strides = [1]} : vector<16xf32> to vector<1xf32>
      %squeeze3A_204 = vector.extract %slice3A_203[0] : f32 from vector<1xf32>
      %add3A_205 = arith.constant 2560 : i32
      %add3A_206 = arith.addi %add3A_205, %sub3A : i32
      %get3A_207 = arith.index_cast %add3A_206 : i32 to index
      %get3A_208 = tpu.vector_load %arg7[%get3A_207] {strides = array<i32>} : memref<5136xf32, #tpu.memory_space<vmem>>, vector<16xf32>,
      %get3A_209 = vector.shape_cast %get3A_208 : vector<16xf32> to vector<16xf32>
      %slice3A_210 = vector.extract_strided_slice %get3A_209 {offsets = [0], sizes = [1], strides = [1]} : vector<16xf32> to vector<1xf32>
      %squeeze3A_211 = vector.extract %slice3A_210[0] : f32 from vector<1xf32>
      %add3A_212 = arith.constant 3840 : i32
      %add3A_213 = arith.addi %add3A_212, %sub3A : i32
      %get3A_214 = arith.index_cast %add3A_213 : i32 to index
      %get3A_215 = tpu.vector_load %arg7[%get3A_214] {strides = array<i32>} : memref<5136xf32, #tpu.memory_space<vmem>>, vector<16xf32>,
      %get3A_216 = vector.shape_cast %get3A_215 : vector<16xf32> to vector<16xf32>
      %slice3A_217 = vector.extract_strided_slice %get3A_216 {offsets = [0], sizes = [1], strides = [1]} : vector<16xf32> to vector<1xf32>
      %squeeze3A_218 = vector.extract %slice3A_217[0] : f32 from vector<1xf32>
      %get3A_219 = arith.index_cast %sub3A : i32 to index
      %get3A_220 = tpu.vector_load %arg8[%get3A_219] {strides = array<i32>} : memref<1296xf32, #tpu.memory_space<vmem>>, vector<16xf32>,
      %get3A_221 = vector.shape_cast %get3A_220 : vector<16xf32> to vector<16xf32>
      %slice3A_222 = vector.extract_strided_slice %get3A_221 {offsets = [0], sizes = [1], strides = [1]} : vector<16xf32> to vector<1xf32>
      %squeeze3A_223 = vector.extract %slice3A_222[0] : f32 from vector<1xf32>
      %get3A_224 = arith.index_cast %sub3A : i32 to index
      %get3A_225 = tpu.vector_load %arg9[%get3A_224] {strides = array<i32>} : memref<1296xi32, #tpu.memory_space<vmem>>, vector<16xi32>,
      %get3A_226 = vector.shape_cast %get3A_225 : vector<16xi32> to vector<16xi32>
      %slice3A_227 = vector.extract_strided_slice %get3A_226 {offsets = [0], sizes = [1], strides = [1]} : vector<16xi32> to vector<1xi32>
      %squeeze3A_228 = vector.extract %slice3A_227[0] : i32 from vector<1xi32>
      %eq3A_229 = arith.constant 0 : i32
      %eq3A_230 = vector.broadcast %eq3A_229 : i32 to vector<16xi32>
      %eq3A_231 = arith.cmpi eq, %iota3A, %eq3A_230 : vector<16xi32>
      %eq3A_232 = arith.constant 1 : i32
      %eq3A_233 = vector.broadcast %eq3A_232 : i32 to vector<16xi32>
      %eq3A_234 = arith.cmpi eq, %iota3A, %eq3A_233 : vector<16xi32>
      %eq3A_235 = arith.constant 2 : i32
      %eq3A_236 = vector.broadcast %eq3A_235 : i32 to vector<16xi32>
      %eq3A_237 = arith.cmpi eq, %iota3A, %eq3A_236 : vector<16xi32>
      %eq3A_238 = arith.constant 3 : i32
      %eq3A_239 = vector.broadcast %eq3A_238 : i32 to vector<16xi32>
      %eq3A_240 = arith.cmpi eq, %iota3A, %eq3A_239 : vector<16xi32>
      %eq3A_241 = arith.constant 4 : i32
      %eq3A_242 = vector.broadcast %eq3A_241 : i32 to vector<16xi32>
      %eq3A_243 = arith.cmpi eq, %iota3A, %eq3A_242 : vector<16xi32>
      %eq3A_244 = arith.constant 6 : i32
      %eq3A_245 = vector.broadcast %eq3A_244 : i32 to vector<16xi32>
      %eq3A_246 = arith.cmpi eq, %iota3A, %eq3A_245 : vector<16xi32>
      %convert_element_type3A_247 = arith.sitofp %squeeze3A_228 : i32 to f32
      %eq3A_248 = arith.constant 7 : i32
      %eq3A_249 = vector.broadcast %eq3A_248 : i32 to vector<16xi32>
      %eq3A_250 = arith.cmpi eq, %iota3A, %eq3A_249 : vector<16xi32>
      %convert_element_type3A_251 = arith.sitofp %select_n3A_191 : i32 to f32
      %broadcast_in_dim3A_252 = vector.broadcast %convert_element_type3A_251 : f32 to vector<16xf32>
      %broadcast_in_dim3A_253 = vector.broadcast %select_n3A_190 : f32 to vector<16xf32>
      %select_n3A_254 = arith.select %eq3A_250, %broadcast_in_dim3A_252, %broadcast_in_dim3A_253 : vector<16xi1>, vector<16xf32>
      %broadcast_in_dim3A_255 = vector.broadcast %convert_element_type3A_247 : f32 to vector<16xf32>
      %select_n3A_256 = arith.select %eq3A_246, %broadcast_in_dim3A_255, %select_n3A_254 : vector<16xi1>, vector<16xf32>
      %broadcast_in_dim3A_257 = vector.broadcast %squeeze3A_223 : f32 to vector<16xf32>
      %select_n3A_258 = arith.select %eq3A_243, %broadcast_in_dim3A_257, %select_n3A_256 : vector<16xi1>, vector<16xf32>
      %broadcast_in_dim3A_259 = vector.broadcast %squeeze3A_218 : f32 to vector<16xf32>
      %select_n3A_260 = arith.select %eq3A_240, %broadcast_in_dim3A_259, %select_n3A_258 : vector<16xi1>, vector<16xf32>
      %broadcast_in_dim3A_261 = vector.broadcast %squeeze3A_211 : f32 to vector<16xf32>
      %select_n3A_262 = arith.select %eq3A_237, %broadcast_in_dim3A_261, %select_n3A_260 : vector<16xi1>, vector<16xf32>
      %broadcast_in_dim3A_263 = vector.broadcast %squeeze3A_204 : f32 to vector<16xf32>
      %select_n3A_264 = arith.select %eq3A_234, %broadcast_in_dim3A_263, %select_n3A_262 : vector<16xi1>, vector<16xf32>
      %broadcast_in_dim3A_265 = vector.broadcast %squeeze3A_197 : f32 to vector<16xf32>
      %select_n3A_266 = arith.select %eq3A_231, %broadcast_in_dim3A_265, %select_n3A_264 : vector<16xi1>, vector<16xf32>
      %swap3A_267 = arith.constant 0 : index
      %swap3A_268 = tpu.vector_load %arg10[%swap3A_267] {strides = array<i32>} : memref<16xf32, #tpu.memory_space<vmem>>, vector<16xf32>,
      %swap3A_269 = vector.shape_cast %swap3A_268 : vector<16xf32> to vector<16xf32>
      %swap3A_270 = vector.shape_cast %select_n3A_266 : vector<16xf32> to vector<16xf32>
      tpu.vector_store %arg10[%swap3A_267], %swap3A_270 {strides = array<i32>} : memref<16xf32, #tpu.memory_space<vmem>>, vector<16xf32>,
      %jit3A = arith.constant 2 : i32
      %eq3A_271 = arith.constant 0 : i32
      %eq3A_272 = arith.cmpi eq, %jit3A, %eq3A_271 : i32
      %jit3A_273 = arith.constant 1 : i32
      %select_n3A_274 = arith.select %eq3A_272, %jit3A_273, %jit3A : i32
      %rem3A = arith.remsi %scan3A_25, %select_n3A_274 : i32
      %ne3A = arith.constant 0 : i32
      %ne3A_275 = arith.cmpi ne, %rem3A, %ne3A : i32
      %lt3A_276 = arith.constant 0 : i32
      %lt3A_277 = arith.cmpi slt, %rem3A, %lt3A_276 : i32
      %lt3A_278 = arith.constant 0 : i32
      %lt3A_279 = arith.cmpi slt, %select_n3A_274, %lt3A_278 : i32
      %ne3A_280 = arith.xori %lt3A_277, %lt3A_279 : i1
      %and3A_281 = arith.andi %ne3A_280, %ne3A_275 : i1
      %add3A_282 = arith.addi %rem3A, %select_n3A_274 : i32
      %select_n3A_283 = arith.select %and3A_281, %add3A_282, %rem3A : i32
      %mul3A_284 = arith.constant 256 : i32
      %mul3A_285 = arith.muli %select_n3A_283, %mul3A_284 : i32
      %multiple_of3A = tpu.assume_multiple %mul3A_285, 16 : i32
      %mul3A_286 = arith.constant 16 : i32
      %mul3A_287 = arith.muli %arg1, %mul3A_286 : i32
      %add3A_288 = arith.addi %multiple_of3A, %mul3A_287 : i32
      %multiple_of3A_289 = tpu.assume_multiple %add3A_288, 16 : i32
      "tpu.region"() ({
        %run_scoped3A = tpu.sem_alloc : memref<!tpu.dma_semaphore, #tpu.memory_space<semaphore_mem>>
        %dma_start3A = tpu.memref_slice %arg15[%multiple_of3A_289] : memref<512xf32, #tpu.memory_space<vmem_shared>> -> memref<16xf32, #tpu.memory_space<vmem_shared>>
        %dma_start3A_570 = tpu.memref_slice %arg15[%multiple_of3A_289] : memref<512xf32, #tpu.memory_space<vmem_shared>> -> memref<16xf32, #tpu.memory_space<vmem_shared>>
        tpu.enqueue_dma source(%arg10 : memref<16xf32, #tpu.memory_space<vmem>>) target(%dma_start3A_570 : memref<16xf32, #tpu.memory_space<vmem_shared>>) target_semaphore(%run_scoped3A : memref<!tpu.dma_semaphore, #tpu.memory_space<semaphore_mem>>)
        %dma_wait3A = tpu.memref_slice %arg15[%multiple_of3A_289] : memref<512xf32, #tpu.memory_space<vmem_shared>> -> memref<16xf32, #tpu.memory_space<vmem_shared>>
        %dma_wait3A_571 = tpu.memref_slice %arg15[%multiple_of3A_289] : memref<512xf32, #tpu.memory_space<vmem_shared>> -> memref<16xf32, #tpu.memory_space<vmem_shared>>
        tpu.wait_dma2 semaphore(%run_scoped3A : memref<!tpu.dma_semaphore, #tpu.memory_space<semaphore_mem>>) src(%arg10 : memref<16xf32, #tpu.memory_space<vmem>>) dst(%dma_wait3A_571 : memref<16xf32, #tpu.memory_space<vmem_shared>>)
        tpu.yield
      }) : () -> ()
      %barrier3A = arith.constant 0 : index
      tpu.barrier barrier_id(%barrier3A)
      "tpu.region"() ({
        %run_scoped3A = tpu.sem_alloc : memref<!tpu.dma_semaphore, #tpu.memory_space<semaphore_mem>>
        %dma_start3A = tpu.memref_slice %arg15[%multiple_of3A] : memref<512xf32, #tpu.memory_space<vmem_shared>> -> memref<256xf32, #tpu.memory_space<vmem_shared>>
        %dma_start3A_570 = tpu.memref_slice %arg15[%multiple_of3A] : memref<512xf32, #tpu.memory_space<vmem_shared>> -> memref<256xf32, #tpu.memory_space<vmem_shared>>
        tpu.enqueue_dma source(%dma_start3A_570 : memref<256xf32, #tpu.memory_space<vmem_shared>>) target(%arg11 : memref<256xf32, #tpu.memory_space<vmem>>) target_semaphore(%run_scoped3A : memref<!tpu.dma_semaphore, #tpu.memory_space<semaphore_mem>>)
        %dma_wait3A = tpu.memref_slice %arg15[%multiple_of3A] : memref<512xf32, #tpu.memory_space<vmem_shared>> -> memref<256xf32, #tpu.memory_space<vmem_shared>>
        %dma_wait3A_571 = tpu.memref_slice %arg15[%multiple_of3A] : memref<512xf32, #tpu.memory_space<vmem_shared>> -> memref<256xf32, #tpu.memory_space<vmem_shared>>
        tpu.wait_dma2 semaphore(%run_scoped3A : memref<!tpu.dma_semaphore, #tpu.memory_space<semaphore_mem>>) src(%dma_wait3A_571 : memref<256xf32, #tpu.memory_space<vmem_shared>>) dst(%arg11 : memref<256xf32, #tpu.memory_space<vmem>>)
        tpu.yield
      }) : () -> ()
      %get3A_290 = arith.constant 0 : index
      %get3A_291 = tpu.vector_load %arg11[%get3A_290] {strides = array<i32>} : memref<256xf32, #tpu.memory_space<vmem>>, vector<16xf32>,
      %get3A_292 = vector.shape_cast %get3A_291 : vector<16xf32> to vector<16xf32>
      %slice3A_293 = vector.extract_strided_slice %get3A_292 {offsets = [5], sizes = [1], strides = [1]} : vector<16xf32> to vector<1xf32>
      %squeeze3A_294 = vector.extract %slice3A_293[0] : f32 from vector<1xf32>
      %slice3A_295 = vector.extract_strided_slice %get3A_292 {offsets = [7], sizes = [1], strides = [1]} : vector<16xf32> to vector<1xf32>
      %squeeze3A_296 = vector.extract %slice3A_295[0] : f32 from vector<1xf32>
      %get3A_297 = arith.constant 16 : index
      %get3A_298 = tpu.vector_load %arg11[%get3A_297] {strides = array<i32>} : memref<256xf32, #tpu.memory_space<vmem>>, vector<16xf32>,
      %get3A_299 = vector.shape_cast %get3A_298 : vector<16xf32> to vector<16xf32>
      %slice3A_300 = vector.extract_strided_slice %get3A_299 {offsets = [5], sizes = [1], strides = [1]} : vector<16xf32> to vector<1xf32>
      %squeeze3A_301 = vector.extract %slice3A_300[0] : f32 from vector<1xf32>
      %slice3A_302 = vector.extract_strided_slice %get3A_299 {offsets = [7], sizes = [1], strides = [1]} : vector<16xf32> to vector<1xf32>
      %squeeze3A_303 = vector.extract %slice3A_302[0] : f32 from vector<1xf32>
      %gt3A_304 = arith.cmpf ogt, %squeeze3A_301, %squeeze3A_294 : f32
      %eq3A_305 = arith.cmpf oeq, %squeeze3A_301, %squeeze3A_294 : f32
      %lt3A_306 = arith.cmpf olt, %squeeze3A_303, %squeeze3A_296 : f32
      %and3A_307 = arith.andi %eq3A_305, %lt3A_306 : i1
      %or3A_308 = arith.ori %gt3A_304, %and3A_307 : i1
      %select_n3A_309 = arith.select %or3A_308, %squeeze3A_301, %squeeze3A_294 : f32
      %select_n3A_310 = arith.select %or3A_308, %squeeze3A_303, %squeeze3A_296 : f32
      %jit3A_311 = arith.constant 1 : i32
      %jit3A_312 = arith.constant 0 : i32
      %select_n3A_313 = arith.select %or3A_308, %jit3A_311, %jit3A_312 : i32
      %get3A_314 = arith.constant 32 : index
      %get3A_315 = tpu.vector_load %arg11[%get3A_314] {strides = array<i32>} : memref<256xf32, #tpu.memory_space<vmem>>, vector<16xf32>,
      %get3A_316 = vector.shape_cast %get3A_315 : vector<16xf32> to vector<16xf32>
      %slice3A_317 = vector.extract_strided_slice %get3A_316 {offsets = [5], sizes = [1], strides = [1]} : vector<16xf32> to vector<1xf32>
      %squeeze3A_318 = vector.extract %slice3A_317[0] : f32 from vector<1xf32>
      %slice3A_319 = vector.extract_strided_slice %get3A_316 {offsets = [7], sizes = [1], strides = [1]} : vector<16xf32> to vector<1xf32>
      %squeeze3A_320 = vector.extract %slice3A_319[0] : f32 from vector<1xf32>
      %gt3A_321 = arith.cmpf ogt, %squeeze3A_318, %select_n3A_309 : f32
      %eq3A_322 = arith.cmpf oeq, %squeeze3A_318, %select_n3A_309 : f32
      %lt3A_323 = arith.cmpf olt, %squeeze3A_320, %select_n3A_310 : f32
      %and3A_324 = arith.andi %eq3A_322, %lt3A_323 : i1
      %or3A_325 = arith.ori %gt3A_321, %and3A_324 : i1
      %select_n3A_326 = arith.select %or3A_325, %squeeze3A_318, %select_n3A_309 : f32
      %select_n3A_327 = arith.select %or3A_325, %squeeze3A_320, %select_n3A_310 : f32
      %jit3A_328 = arith.constant 2 : i32
      %select_n3A_329 = arith.select %or3A_325, %jit3A_328, %select_n3A_313 : i32
      %get3A_330 = arith.constant 48 : index
      %get3A_331 = tpu.vector_load %arg11[%get3A_330] {strides = array<i32>} : memref<256xf32, #tpu.memory_space<vmem>>, vector<16xf32>,
      %get3A_332 = vector.shape_cast %get3A_331 : vector<16xf32> to vector<16xf32>
      %slice3A_333 = vector.extract_strided_slice %get3A_332 {offsets = [5], sizes = [1], strides = [1]} : vector<16xf32> to vector<1xf32>
      %squeeze3A_334 = vector.extract %slice3A_333[0] : f32 from vector<1xf32>
      %slice3A_335 = vector.extract_strided_slice %get3A_332 {offsets = [7], sizes = [1], strides = [1]} : vector<16xf32> to vector<1xf32>
      %squeeze3A_336 = vector.extract %slice3A_335[0] : f32 from vector<1xf32>
      %gt3A_337 = arith.cmpf ogt, %squeeze3A_334, %select_n3A_326 : f32
      %eq3A_338 = arith.cmpf oeq, %squeeze3A_334, %select_n3A_326 : f32
      %lt3A_339 = arith.cmpf olt, %squeeze3A_336, %select_n3A_327 : f32
      %and3A_340 = arith.andi %eq3A_338, %lt3A_339 : i1
      %or3A_341 = arith.ori %gt3A_337, %and3A_340 : i1
      %select_n3A_342 = arith.select %or3A_341, %squeeze3A_334, %select_n3A_326 : f32
      %select_n3A_343 = arith.select %or3A_341, %squeeze3A_336, %select_n3A_327 : f32
      %jit3A_344 = arith.constant 3 : i32
      %select_n3A_345 = arith.select %or3A_341, %jit3A_344, %select_n3A_329 : i32
      %get3A_346 = arith.constant 64 : index
      %get3A_347 = tpu.vector_load %arg11[%get3A_346] {strides = array<i32>} : memref<256xf32, #tpu.memory_space<vmem>>, vector<16xf32>,
      %get3A_348 = vector.shape_cast %get3A_347 : vector<16xf32> to vector<16xf32>
      %slice3A_349 = vector.extract_strided_slice %get3A_348 {offsets = [5], sizes = [1], strides = [1]} : vector<16xf32> to vector<1xf32>
      %squeeze3A_350 = vector.extract %slice3A_349[0] : f32 from vector<1xf32>
      %slice3A_351 = vector.extract_strided_slice %get3A_348 {offsets = [7], sizes = [1], strides = [1]} : vector<16xf32> to vector<1xf32>
      %squeeze3A_352 = vector.extract %slice3A_351[0] : f32 from vector<1xf32>
      %gt3A_353 = arith.cmpf ogt, %squeeze3A_350, %select_n3A_342 : f32
      %eq3A_354 = arith.cmpf oeq, %squeeze3A_350, %select_n3A_342 : f32
      %lt3A_355 = arith.cmpf olt, %squeeze3A_352, %select_n3A_343 : f32
      %and3A_356 = arith.andi %eq3A_354, %lt3A_355 : i1
      %or3A_357 = arith.ori %gt3A_353, %and3A_356 : i1
      %select_n3A_358 = arith.select %or3A_357, %squeeze3A_350, %select_n3A_342 : f32
      %select_n3A_359 = arith.select %or3A_357, %squeeze3A_352, %select_n3A_343 : f32
      %jit3A_360 = arith.constant 4 : i32
      %select_n3A_361 = arith.select %or3A_357, %jit3A_360, %select_n3A_345 : i32
      %get3A_362 = arith.constant 80 : index
      %get3A_363 = tpu.vector_load %arg11[%get3A_362] {strides = array<i32>} : memref<256xf32, #tpu.memory_space<vmem>>, vector<16xf32>,
      %get3A_364 = vector.shape_cast %get3A_363 : vector<16xf32> to vector<16xf32>
      %slice3A_365 = vector.extract_strided_slice %get3A_364 {offsets = [5], sizes = [1], strides = [1]} : vector<16xf32> to vector<1xf32>
      %squeeze3A_366 = vector.extract %slice3A_365[0] : f32 from vector<1xf32>
      %slice3A_367 = vector.extract_strided_slice %get3A_364 {offsets = [7], sizes = [1], strides = [1]} : vector<16xf32> to vector<1xf32>
      %squeeze3A_368 = vector.extract %slice3A_367[0] : f32 from vector<1xf32>
      %gt3A_369 = arith.cmpf ogt, %squeeze3A_366, %select_n3A_358 : f32
      %eq3A_370 = arith.cmpf oeq, %squeeze3A_366, %select_n3A_358 : f32
      %lt3A_371 = arith.cmpf olt, %squeeze3A_368, %select_n3A_359 : f32
      %and3A_372 = arith.andi %eq3A_370, %lt3A_371 : i1
      %or3A_373 = arith.ori %gt3A_369, %and3A_372 : i1
      %select_n3A_374 = arith.select %or3A_373, %squeeze3A_366, %select_n3A_358 : f32
      %select_n3A_375 = arith.select %or3A_373, %squeeze3A_368, %select_n3A_359 : f32
      %jit3A_376 = arith.constant 5 : i32
      %select_n3A_377 = arith.select %or3A_373, %jit3A_376, %select_n3A_361 : i32
      %get3A_378 = arith.constant 96 : index
      %get3A_379 = tpu.vector_load %arg11[%get3A_378] {strides = array<i32>} : memref<256xf32, #tpu.memory_space<vmem>>, vector<16xf32>,
      %get3A_380 = vector.shape_cast %get3A_379 : vector<16xf32> to vector<16xf32>
      %slice3A_381 = vector.extract_strided_slice %get3A_380 {offsets = [5], sizes = [1], strides = [1]} : vector<16xf32> to vector<1xf32>
      %squeeze3A_382 = vector.extract %slice3A_381[0] : f32 from vector<1xf32>
      %slice3A_383 = vector.extract_strided_slice %get3A_380 {offsets = [7], sizes = [1], strides = [1]} : vector<16xf32> to vector<1xf32>
      %squeeze3A_384 = vector.extract %slice3A_383[0] : f32 from vector<1xf32>
      %gt3A_385 = arith.cmpf ogt, %squeeze3A_382, %select_n3A_374 : f32
      %eq3A_386 = arith.cmpf oeq, %squeeze3A_382, %select_n3A_374 : f32
      %lt3A_387 = arith.cmpf olt, %squeeze3A_384, %select_n3A_375 : f32
      %and3A_388 = arith.andi %eq3A_386, %lt3A_387 : i1
      %or3A_389 = arith.ori %gt3A_385, %and3A_388 : i1
      %select_n3A_390 = arith.select %or3A_389, %squeeze3A_382, %select_n3A_374 : f32
      %select_n3A_391 = arith.select %or3A_389, %squeeze3A_384, %select_n3A_375 : f32
      %jit3A_392 = arith.constant 6 : i32
      %select_n3A_393 = arith.select %or3A_389, %jit3A_392, %select_n3A_377 : i32
      %get3A_394 = arith.constant 112 : index
      %get3A_395 = tpu.vector_load %arg11[%get3A_394] {strides = array<i32>} : memref<256xf32, #tpu.memory_space<vmem>>, vector<16xf32>,
      %get3A_396 = vector.shape_cast %get3A_395 : vector<16xf32> to vector<16xf32>
      %slice3A_397 = vector.extract_strided_slice %get3A_396 {offsets = [5], sizes = [1], strides = [1]} : vector<16xf32> to vector<1xf32>
      %squeeze3A_398 = vector.extract %slice3A_397[0] : f32 from vector<1xf32>
      %slice3A_399 = vector.extract_strided_slice %get3A_396 {offsets = [7], sizes = [1], strides = [1]} : vector<16xf32> to vector<1xf32>
      %squeeze3A_400 = vector.extract %slice3A_399[0] : f32 from vector<1xf32>
      %gt3A_401 = arith.cmpf ogt, %squeeze3A_398, %select_n3A_390 : f32
      %eq3A_402 = arith.cmpf oeq, %squeeze3A_398, %select_n3A_390 : f32
      %lt3A_403 = arith.cmpf olt, %squeeze3A_400, %select_n3A_391 : f32
      %and3A_404 = arith.andi %eq3A_402, %lt3A_403 : i1
      %or3A_405 = arith.ori %gt3A_401, %and3A_404 : i1
      %select_n3A_406 = arith.select %or3A_405, %squeeze3A_398, %select_n3A_390 : f32
      %select_n3A_407 = arith.select %or3A_405, %squeeze3A_400, %select_n3A_391 : f32
      %jit3A_408 = arith.constant 7 : i32
      %select_n3A_409 = arith.select %or3A_405, %jit3A_408, %select_n3A_393 : i32
      %get3A_410 = arith.constant 128 : index
      %get3A_411 = tpu.vector_load %arg11[%get3A_410] {strides = array<i32>} : memref<256xf32, #tpu.memory_space<vmem>>, vector<16xf32>,
      %get3A_412 = vector.shape_cast %get3A_411 : vector<16xf32> to vector<16xf32>
      %slice3A_413 = vector.extract_strided_slice %get3A_412 {offsets = [5], sizes = [1], strides = [1]} : vector<16xf32> to vector<1xf32>
      %squeeze3A_414 = vector.extract %slice3A_413[0] : f32 from vector<1xf32>
      %slice3A_415 = vector.extract_strided_slice %get3A_412 {offsets = [7], sizes = [1], strides = [1]} : vector<16xf32> to vector<1xf32>
      %squeeze3A_416 = vector.extract %slice3A_415[0] : f32 from vector<1xf32>
      %gt3A_417 = arith.cmpf ogt, %squeeze3A_414, %select_n3A_406 : f32
      %eq3A_418 = arith.cmpf oeq, %squeeze3A_414, %select_n3A_406 : f32
      %lt3A_419 = arith.cmpf olt, %squeeze3A_416, %select_n3A_407 : f32
      %and3A_420 = arith.andi %eq3A_418, %lt3A_419 : i1
      %or3A_421 = arith.ori %gt3A_417, %and3A_420 : i1
      %select_n3A_422 = arith.select %or3A_421, %squeeze3A_414, %select_n3A_406 : f32
      %select_n3A_423 = arith.select %or3A_421, %squeeze3A_416, %select_n3A_407 : f32
      %jit3A_424 = arith.constant 8 : i32
      %select_n3A_425 = arith.select %or3A_421, %jit3A_424, %select_n3A_409 : i32
      %get3A_426 = arith.constant 144 : index
      %get3A_427 = tpu.vector_load %arg11[%get3A_426] {strides = array<i32>} : memref<256xf32, #tpu.memory_space<vmem>>, vector<16xf32>,
      %get3A_428 = vector.shape_cast %get3A_427 : vector<16xf32> to vector<16xf32>
      %slice3A_429 = vector.extract_strided_slice %get3A_428 {offsets = [5], sizes = [1], strides = [1]} : vector<16xf32> to vector<1xf32>
      %squeeze3A_430 = vector.extract %slice3A_429[0] : f32 from vector<1xf32>
      %slice3A_431 = vector.extract_strided_slice %get3A_428 {offsets = [7], sizes = [1], strides = [1]} : vector<16xf32> to vector<1xf32>
      %squeeze3A_432 = vector.extract %slice3A_431[0] : f32 from vector<1xf32>
      %gt3A_433 = arith.cmpf ogt, %squeeze3A_430, %select_n3A_422 : f32
      %eq3A_434 = arith.cmpf oeq, %squeeze3A_430, %select_n3A_422 : f32
      %lt3A_435 = arith.cmpf olt, %squeeze3A_432, %select_n3A_423 : f32
      %and3A_436 = arith.andi %eq3A_434, %lt3A_435 : i1
      %or3A_437 = arith.ori %gt3A_433, %and3A_436 : i1
      %select_n3A_438 = arith.select %or3A_437, %squeeze3A_430, %select_n3A_422 : f32
      %select_n3A_439 = arith.select %or3A_437, %squeeze3A_432, %select_n3A_423 : f32
      %jit3A_440 = arith.constant 9 : i32
      %select_n3A_441 = arith.select %or3A_437, %jit3A_440, %select_n3A_425 : i32
      %get3A_442 = arith.constant 160 : index
      %get3A_443 = tpu.vector_load %arg11[%get3A_442] {strides = array<i32>} : memref<256xf32, #tpu.memory_space<vmem>>, vector<16xf32>,
      %get3A_444 = vector.shape_cast %get3A_443 : vector<16xf32> to vector<16xf32>
      %slice3A_445 = vector.extract_strided_slice %get3A_444 {offsets = [5], sizes = [1], strides = [1]} : vector<16xf32> to vector<1xf32>
      %squeeze3A_446 = vector.extract %slice3A_445[0] : f32 from vector<1xf32>
      %slice3A_447 = vector.extract_strided_slice %get3A_444 {offsets = [7], sizes = [1], strides = [1]} : vector<16xf32> to vector<1xf32>
      %squeeze3A_448 = vector.extract %slice3A_447[0] : f32 from vector<1xf32>
      %gt3A_449 = arith.cmpf ogt, %squeeze3A_446, %select_n3A_438 : f32
      %eq3A_450 = arith.cmpf oeq, %squeeze3A_446, %select_n3A_438 : f32
      %lt3A_451 = arith.cmpf olt, %squeeze3A_448, %select_n3A_439 : f32
      %and3A_452 = arith.andi %eq3A_450, %lt3A_451 : i1
      %or3A_453 = arith.ori %gt3A_449, %and3A_452 : i1
      %select_n3A_454 = arith.select %or3A_453, %squeeze3A_446, %select_n3A_438 : f32
      %select_n3A_455 = arith.select %or3A_453, %squeeze3A_448, %select_n3A_439 : f32
      %jit3A_456 = arith.constant 10 : i32
      %select_n3A_457 = arith.select %or3A_453, %jit3A_456, %select_n3A_441 : i32
      %get3A_458 = arith.constant 176 : index
      %get3A_459 = tpu.vector_load %arg11[%get3A_458] {strides = array<i32>} : memref<256xf32, #tpu.memory_space<vmem>>, vector<16xf32>,
      %get3A_460 = vector.shape_cast %get3A_459 : vector<16xf32> to vector<16xf32>
      %slice3A_461 = vector.extract_strided_slice %get3A_460 {offsets = [5], sizes = [1], strides = [1]} : vector<16xf32> to vector<1xf32>
      %squeeze3A_462 = vector.extract %slice3A_461[0] : f32 from vector<1xf32>
      %slice3A_463 = vector.extract_strided_slice %get3A_460 {offsets = [7], sizes = [1], strides = [1]} : vector<16xf32> to vector<1xf32>
      %squeeze3A_464 = vector.extract %slice3A_463[0] : f32 from vector<1xf32>
      %gt3A_465 = arith.cmpf ogt, %squeeze3A_462, %select_n3A_454 : f32
      %eq3A_466 = arith.cmpf oeq, %squeeze3A_462, %select_n3A_454 : f32
      %lt3A_467 = arith.cmpf olt, %squeeze3A_464, %select_n3A_455 : f32
      %and3A_468 = arith.andi %eq3A_466, %lt3A_467 : i1
      %or3A_469 = arith.ori %gt3A_465, %and3A_468 : i1
      %select_n3A_470 = arith.select %or3A_469, %squeeze3A_462, %select_n3A_454 : f32
      %select_n3A_471 = arith.select %or3A_469, %squeeze3A_464, %select_n3A_455 : f32
      %jit3A_472 = arith.constant 11 : i32
      %select_n3A_473 = arith.select %or3A_469, %jit3A_472, %select_n3A_457 : i32
      %get3A_474 = arith.constant 192 : index
      %get3A_475 = tpu.vector_load %arg11[%get3A_474] {strides = array<i32>} : memref<256xf32, #tpu.memory_space<vmem>>, vector<16xf32>,
      %get3A_476 = vector.shape_cast %get3A_475 : vector<16xf32> to vector<16xf32>
      %slice3A_477 = vector.extract_strided_slice %get3A_476 {offsets = [5], sizes = [1], strides = [1]} : vector<16xf32> to vector<1xf32>
      %squeeze3A_478 = vector.extract %slice3A_477[0] : f32 from vector<1xf32>
      %slice3A_479 = vector.extract_strided_slice %get3A_476 {offsets = [7], sizes = [1], strides = [1]} : vector<16xf32> to vector<1xf32>
      %squeeze3A_480 = vector.extract %slice3A_479[0] : f32 from vector<1xf32>
      %gt3A_481 = arith.cmpf ogt, %squeeze3A_478, %select_n3A_470 : f32
      %eq3A_482 = arith.cmpf oeq, %squeeze3A_478, %select_n3A_470 : f32
      %lt3A_483 = arith.cmpf olt, %squeeze3A_480, %select_n3A_471 : f32
      %and3A_484 = arith.andi %eq3A_482, %lt3A_483 : i1
      %or3A_485 = arith.ori %gt3A_481, %and3A_484 : i1
      %select_n3A_486 = arith.select %or3A_485, %squeeze3A_478, %select_n3A_470 : f32
      %select_n3A_487 = arith.select %or3A_485, %squeeze3A_480, %select_n3A_471 : f32
      %jit3A_488 = arith.constant 12 : i32
      %select_n3A_489 = arith.select %or3A_485, %jit3A_488, %select_n3A_473 : i32
      %get3A_490 = arith.constant 208 : index
      %get3A_491 = tpu.vector_load %arg11[%get3A_490] {strides = array<i32>} : memref<256xf32, #tpu.memory_space<vmem>>, vector<16xf32>,
      %get3A_492 = vector.shape_cast %get3A_491 : vector<16xf32> to vector<16xf32>
      %slice3A_493 = vector.extract_strided_slice %get3A_492 {offsets = [5], sizes = [1], strides = [1]} : vector<16xf32> to vector<1xf32>
      %squeeze3A_494 = vector.extract %slice3A_493[0] : f32 from vector<1xf32>
      %slice3A_495 = vector.extract_strided_slice %get3A_492 {offsets = [7], sizes = [1], strides = [1]} : vector<16xf32> to vector<1xf32>
      %squeeze3A_496 = vector.extract %slice3A_495[0] : f32 from vector<1xf32>
      %gt3A_497 = arith.cmpf ogt, %squeeze3A_494, %select_n3A_486 : f32
      %eq3A_498 = arith.cmpf oeq, %squeeze3A_494, %select_n3A_486 : f32
      %lt3A_499 = arith.cmpf olt, %squeeze3A_496, %select_n3A_487 : f32
      %and3A_500 = arith.andi %eq3A_498, %lt3A_499 : i1
      %or3A_501 = arith.ori %gt3A_497, %and3A_500 : i1
      %select_n3A_502 = arith.select %or3A_501, %squeeze3A_494, %select_n3A_486 : f32
      %select_n3A_503 = arith.select %or3A_501, %squeeze3A_496, %select_n3A_487 : f32
      %jit3A_504 = arith.constant 13 : i32
      %select_n3A_505 = arith.select %or3A_501, %jit3A_504, %select_n3A_489 : i32
      %get3A_506 = arith.constant 224 : index
      %get3A_507 = tpu.vector_load %arg11[%get3A_506] {strides = array<i32>} : memref<256xf32, #tpu.memory_space<vmem>>, vector<16xf32>,
      %get3A_508 = vector.shape_cast %get3A_507 : vector<16xf32> to vector<16xf32>
      %slice3A_509 = vector.extract_strided_slice %get3A_508 {offsets = [5], sizes = [1], strides = [1]} : vector<16xf32> to vector<1xf32>
      %squeeze3A_510 = vector.extract %slice3A_509[0] : f32 from vector<1xf32>
      %slice3A_511 = vector.extract_strided_slice %get3A_508 {offsets = [7], sizes = [1], strides = [1]} : vector<16xf32> to vector<1xf32>
      %squeeze3A_512 = vector.extract %slice3A_511[0] : f32 from vector<1xf32>
      %gt3A_513 = arith.cmpf ogt, %squeeze3A_510, %select_n3A_502 : f32
      %eq3A_514 = arith.cmpf oeq, %squeeze3A_510, %select_n3A_502 : f32
      %lt3A_515 = arith.cmpf olt, %squeeze3A_512, %select_n3A_503 : f32
      %and3A_516 = arith.andi %eq3A_514, %lt3A_515 : i1
      %or3A_517 = arith.ori %gt3A_513, %and3A_516 : i1
      %select_n3A_518 = arith.select %or3A_517, %squeeze3A_510, %select_n3A_502 : f32
      %select_n3A_519 = arith.select %or3A_517, %squeeze3A_512, %select_n3A_503 : f32
      %jit3A_520 = arith.constant 14 : i32
      %select_n3A_521 = arith.select %or3A_517, %jit3A_520, %select_n3A_505 : i32
      %get3A_522 = arith.constant 240 : index
      %get3A_523 = tpu.vector_load %arg11[%get3A_522] {strides = array<i32>} : memref<256xf32, #tpu.memory_space<vmem>>, vector<16xf32>,
      %get3A_524 = vector.shape_cast %get3A_523 : vector<16xf32> to vector<16xf32>
      %slice3A_525 = vector.extract_strided_slice %get3A_524 {offsets = [5], sizes = [1], strides = [1]} : vector<16xf32> to vector<1xf32>
      %squeeze3A_526 = vector.extract %slice3A_525[0] : f32 from vector<1xf32>
      %slice3A_527 = vector.extract_strided_slice %get3A_524 {offsets = [7], sizes = [1], strides = [1]} : vector<16xf32> to vector<1xf32>
      %squeeze3A_528 = vector.extract %slice3A_527[0] : f32 from vector<1xf32>
      %gt3A_529 = arith.cmpf ogt, %squeeze3A_526, %select_n3A_518 : f32
      %eq3A_530 = arith.cmpf oeq, %squeeze3A_526, %select_n3A_518 : f32
      %lt3A_531 = arith.cmpf olt, %squeeze3A_528, %select_n3A_519 : f32
      %and3A_532 = arith.andi %eq3A_530, %lt3A_531 : i1
      %or3A_533 = arith.ori %gt3A_529, %and3A_532 : i1
      %select_n3A_534 = arith.select %or3A_533, %squeeze3A_526, %select_n3A_518 : f32
      %select_n3A_535 = arith.select %or3A_533, %squeeze3A_528, %select_n3A_519 : f32
      %jit3A_536 = arith.constant 15 : i32
      %select_n3A_537 = arith.select %or3A_533, %jit3A_536, %select_n3A_521 : i32
      %ge3A = arith.constant 0.000000e+00 : f32
      %ge3A_538 = arith.cmpf oge, %select_n3A_534, %ge3A : f32
      %mul3A_539 = arith.constant 16 : i32
      %mul3A_540 = arith.muli %select_n3A_537, %mul3A_539 : i32
      %multiple_of3A_541 = tpu.assume_multiple %mul3A_540, 16 : i32
      %get3A_542 = arith.index_cast %multiple_of3A_541 : i32 to index
      %get3A_543 = tpu.vector_load %arg11[%get3A_542] {strides = array<i32>} : memref<256xf32, #tpu.memory_space<vmem>>, vector<16xf32>,
      %get3A_544 = vector.shape_cast %get3A_543 : vector<16xf32> to vector<16xf32>
      %slice3A_545 = vector.extract_strided_slice %get3A_544 {offsets = [0], sizes = [1], strides = [1]} : vector<16xf32> to vector<1xf32>
      %squeeze3A_546 = vector.extract %slice3A_545[0] : f32 from vector<1xf32>
      %slice3A_547 = vector.extract_strided_slice %get3A_544 {offsets = [1], sizes = [1], strides = [1]} : vector<16xf32> to vector<1xf32>
      %squeeze3A_548 = vector.extract %slice3A_547[0] : f32 from vector<1xf32>
      %slice3A_549 = vector.extract_strided_slice %get3A_544 {offsets = [2], sizes = [1], strides = [1]} : vector<16xf32> to vector<1xf32>
      %squeeze3A_550 = vector.extract %slice3A_549[0] : f32 from vector<1xf32>
      %slice3A_551 = vector.extract_strided_slice %get3A_544 {offsets = [3], sizes = [1], strides = [1]} : vector<16xf32> to vector<1xf32>
      %squeeze3A_552 = vector.extract %slice3A_551[0] : f32 from vector<1xf32>
      %eq3A_553 = arith.constant 0 : i32
      %eq3A_554 = arith.cmpi eq, %arg1, %eq3A_553 : i32
      %convert_element_type3A_555 = arith.extui %eq3A_554 : i1 to i32
      %cond3A_556 = arith.constant 0 : i32
      %cond3A_557 = arith.cmpi ne, %convert_element_type3A_555, %cond3A_556 : i32
      scf.if %cond3A_557 {
        %multiple_of3A_570 = arith.constant 0 : i32
        %multiple_of3A_571 = tpu.assume_multiple %multiple_of3A_570, 16 : i32
        %get3A_572 = arith.index_cast %multiple_of3A_571 : i32 to index
        %get3A_573 = tpu.vector_load %arg7[%get3A_572] {strides = array<i32>} : memref<5136xf32, #tpu.memory_space<vmem>>, vector<16xf32>,
        %get3A_574 = vector.shape_cast %get3A_573 : vector<16xf32> to vector<16xf32>
        %slice3A_575 = vector.extract_strided_slice %get3A_574 {offsets = [0], sizes = [1], strides = [1]} : vector<16xf32> to vector<1xf32>
        %squeeze3A_576 = vector.extract %slice3A_575[0] : f32 from vector<1xf32>
        %multiple_of3A_577 = arith.constant 1280 : i32
        %multiple_of3A_578 = tpu.assume_multiple %multiple_of3A_577, 16 : i32
        %get3A_579 = arith.index_cast %multiple_of3A_578 : i32 to index
        %get3A_580 = tpu.vector_load %arg7[%get3A_579] {strides = array<i32>} : memref<5136xf32, #tpu.memory_space<vmem>>, vector<16xf32>,
        %get3A_581 = vector.shape_cast %get3A_580 : vector<16xf32> to vector<16xf32>
        %slice3A_582 = vector.extract_strided_slice %get3A_581 {offsets = [0], sizes = [1], strides = [1]} : vector<16xf32> to vector<1xf32>
        %squeeze3A_583 = vector.extract %slice3A_582[0] : f32 from vector<1xf32>
        %multiple_of3A_584 = arith.constant 2560 : i32
        %multiple_of3A_585 = tpu.assume_multiple %multiple_of3A_584, 16 : i32
        %get3A_586 = arith.index_cast %multiple_of3A_585 : i32 to index
        %get3A_587 = tpu.vector_load %arg7[%get3A_586] {strides = array<i32>} : memref<5136xf32, #tpu.memory_space<vmem>>, vector<16xf32>,
        %get3A_588 = vector.shape_cast %get3A_587 : vector<16xf32> to vector<16xf32>
        %slice3A_589 = vector.extract_strided_slice %get3A_588 {offsets = [0], sizes = [1], strides = [1]} : vector<16xf32> to vector<1xf32>
        %squeeze3A_590 = vector.extract %slice3A_589[0] : f32 from vector<1xf32>
        %multiple_of3A_591 = arith.constant 3840 : i32
        %multiple_of3A_592 = tpu.assume_multiple %multiple_of3A_591, 16 : i32
        %get3A_593 = arith.index_cast %multiple_of3A_592 : i32 to index
        %get3A_594 = tpu.vector_load %arg7[%get3A_593] {strides = array<i32>} : memref<5136xf32, #tpu.memory_space<vmem>>, vector<16xf32>,
        %get3A_595 = vector.shape_cast %get3A_594 : vector<16xf32> to vector<16xf32>
        %slice3A_596 = vector.extract_strided_slice %get3A_595 {offsets = [0], sizes = [1], strides = [1]} : vector<16xf32> to vector<1xf32>
        %squeeze3A_597 = vector.extract %slice3A_596[0] : f32 from vector<1xf32>
        %get3A_598 = arith.constant 0 : index
        %get3A_599 = tpu.vector_load %arg9[%get3A_598] {strides = array<i32>} : memref<1296xi32, #tpu.memory_space<vmem>>, vector<16xi32>,
        %get3A_600 = vector.shape_cast %get3A_599 : vector<16xi32> to vector<16xi32>
        %slice3A_601 = vector.extract_strided_slice %get3A_600 {offsets = [0], sizes = [1], strides = [1]} : vector<16xi32> to vector<1xi32>
        %squeeze3A_602 = vector.extract %slice3A_601[0] : i32 from vector<1xi32>
        %select_n3A_603 = arith.select %ge3A_538, %squeeze3A_546, %squeeze3A_576 : f32
        %select_n3A_604 = arith.select %ge3A_538, %squeeze3A_548, %squeeze3A_583 : f32
        %select_n3A_605 = arith.select %ge3A_538, %squeeze3A_550, %squeeze3A_590 : f32
        %select_n3A_606 = arith.select %ge3A_538, %squeeze3A_552, %squeeze3A_597 : f32
        %slice3A_607 = vector.extract_strided_slice %get3A_544 {offsets = [4], sizes = [1], strides = [1]} : vector<16xf32> to vector<1xf32>
        %squeeze3A_608 = vector.extract %slice3A_607[0] : f32 from vector<1xf32>
        %get3A_609 = arith.constant 0 : i32
        %get3A_610 = arith.index_cast %get3A_609 : i32 to index
        %get3A_611 = memref.load %arg14[%get3A_610] : memref<1xf32, #tpu.memory_space<smem>>
        %select_n3A_612 = arith.select %ge3A_538, %squeeze3A_608, %get3A_611 : f32
        %slice3A_613 = vector.extract_strided_slice %get3A_544 {offsets = [6], sizes = [1], strides = [1]} : vector<16xf32> to vector<1xf32>
        %squeeze3A_614 = vector.extract %slice3A_613[0] : f32 from vector<1xf32>
        %convert_element_type3A_615 = arith.fptosi %squeeze3A_614 : f32 to i32
        %select_n3A_616 = arith.select %ge3A_538, %convert_element_type3A_615, %squeeze3A_602 : i32
        %eq3A_617 = arith.constant 0 : i32
        %eq3A_618 = vector.broadcast %eq3A_617 : i32 to vector<16xi32>
        %eq3A_619 = arith.cmpi eq, %iota3A, %eq3A_618 : vector<16xi32>
        %eq3A_620 = arith.constant 1 : i32
        %eq3A_621 = vector.broadcast %eq3A_620 : i32 to vector<16xi32>
        %eq3A_622 = arith.cmpi eq, %iota3A, %eq3A_621 : vector<16xi32>
        %eq3A_623 = arith.constant 2 : i32
        %eq3A_624 = vector.broadcast %eq3A_623 : i32 to vector<16xi32>
        %eq3A_625 = arith.cmpi eq, %iota3A, %eq3A_624 : vector<16xi32>
        %eq3A_626 = arith.constant 3 : i32
        %eq3A_627 = vector.broadcast %eq3A_626 : i32 to vector<16xi32>
        %eq3A_628 = arith.cmpi eq, %iota3A, %eq3A_627 : vector<16xi32>
        %broadcast_in_dim3A_629 = vector.broadcast %select_n3A_606 : f32 to vector<16xf32>
        %broadcast_in_dim3A_630 = vector.broadcast %select_n3A_612 : f32 to vector<16xf32>
        %select_n3A_631 = arith.select %eq3A_628, %broadcast_in_dim3A_629, %broadcast_in_dim3A_630 : vector<16xi1>, vector<16xf32>
        %broadcast_in_dim3A_632 = vector.broadcast %select_n3A_605 : f32 to vector<16xf32>
        %select_n3A_633 = arith.select %eq3A_625, %broadcast_in_dim3A_632, %select_n3A_631 : vector<16xi1>, vector<16xf32>
        %broadcast_in_dim3A_634 = vector.broadcast %select_n3A_604 : f32 to vector<16xf32>
        %select_n3A_635 = arith.select %eq3A_622, %broadcast_in_dim3A_634, %select_n3A_633 : vector<16xi1>, vector<16xf32>
        %broadcast_in_dim3A_636 = vector.broadcast %select_n3A_603 : f32 to vector<16xf32>
        %select_n3A_637 = arith.select %eq3A_619, %broadcast_in_dim3A_636, %select_n3A_635 : vector<16xi1>, vector<16xf32>
        %eq3A_638 = arith.constant 0 : i32
        %eq3A_639 = vector.broadcast %eq3A_638 : i32 to vector<16xi32>
        %eq3A_640 = arith.cmpi eq, %iota3A, %eq3A_639 : vector<16xi32>
        %jit3A_641 = arith.constant 0 : i32
        %broadcast_in_dim3A_642 = vector.broadcast %select_n3A_616 : i32 to vector<16xi32>
        %broadcast_in_dim3A_643 = vector.broadcast %jit3A_641 : i32 to vector<16xi32>
        %select_n3A_644 = arith.select %eq3A_640, %broadcast_in_dim3A_642, %broadcast_in_dim3A_643 : vector<16xi1>, vector<16xi32>
        %mul3A_645 = arith.constant 16 : i32
        %mul3A_646 = arith.muli %scan3A_25, %mul3A_645 : i32
        %multiple_of3A_647 = tpu.assume_multiple %mul3A_646, 16 : i32
        %swap3A_648 = arith.index_cast %multiple_of3A_647 : i32 to index
        %swap3A_649 = tpu.vector_load %arg12[%swap3A_648] {strides = array<i32>} : memref<1792xf32, #tpu.memory_space<vmem>>, vector<16xf32>,
        %swap3A_650 = vector.shape_cast %swap3A_649 : vector<16xf32> to vector<16xf32>
        %swap3A_651 = vector.shape_cast %select_n3A_637 : vector<16xf32> to vector<16xf32>
        tpu.vector_store %arg12[%swap3A_648], %swap3A_651 {strides = array<i32>} : memref<1792xf32, #tpu.memory_space<vmem>>, vector<16xf32>,
        %swap3A_652 = arith.index_cast %multiple_of3A_647 : i32 to index
        %swap3A_653 = tpu.vector_load %arg13[%swap3A_652] {strides = array<i32>} : memref<1792xi32, #tpu.memory_space<vmem>>, vector<16xi32>,
        %swap3A_654 = vector.shape_cast %swap3A_653 : vector<16xi32> to vector<16xi32>
        %swap3A_655 = vector.shape_cast %select_n3A_644 : vector<16xi32> to vector<16xi32>
        tpu.vector_store %arg13[%swap3A_652], %swap3A_655 {strides = array<i32>} : memref<1792xi32, #tpu.memory_space<vmem>>, vector<16xi32>,
      } else {
      }
      %sub3A_558 = arith.subf %squeeze3A_550, %squeeze3A_546 : f32
      %sub3A_559 = arith.subf %squeeze3A_552, %squeeze3A_548 : f32
      %mul3A_560 = arith.mulf %sub3A_558, %sub3A_559 : f32
      %jit3A_561 = arith.constant 6.000000e-01 : f32
      %jit3A_562 = arith.constant -1.000000e+00 : f32
      %select_n3A_563 = arith.select %ge3A_538, %jit3A_561, %jit3A_562 : f32
      %scan3A_564 = arith.constant 0 : i32
      %scan3A_565 = arith.constant 10 : i32
      %scan3A_566 = arith.addi %scan3A_564, %scan3A_565 : i32
      %scan3A_567 = arith.constant 1 : i32
      %scan3A_568:2 = scf.for %scan3A_570 = %scan3A_564 to %scan3A_566 step %scan3A_567 iter_args(%scan3A_571 = %broadcast_in_dim3A_5, %scan3A_572 = %broadcast_in_dim3A_7) -> (vector<16xf32>, vector<16xi32>)  : i32 {
        %mul3A_573 = arith.constant 128 : i32
        %mul3A_574 = arith.muli %scan3A_570, %mul3A_573 : i32
        %add3A_575 = arith.constant 0 : i32
        %add3A_576 = arith.addi %mul3A_574, %add3A_575 : i32
        %add3A_577 = arith.constant 0 : i32
        %add3A_578 = arith.addi %add3A_577, %add3A_576 : i32
        %multiple_of3A_579 = tpu.assume_multiple %add3A_578, 16 : i32
        %get3A_580 = arith.index_cast %multiple_of3A_579 : i32 to index
        %get3A_581 = tpu.vector_load %arg7[%get3A_580] {strides = array<i32>} : memref<5136xf32, #tpu.memory_space<vmem>>, vector<16xf32>,
        %get3A_582 = vector.shape_cast %get3A_581 : vector<16xf32> to vector<16xf32>
        %add3A_583 = arith.constant 1280 : i32
        %add3A_584 = arith.addi %add3A_583, %add3A_576 : i32
        %multiple_of3A_585 = tpu.assume_multiple %add3A_584, 16 : i32
        %get3A_586 = arith.index_cast %multiple_of3A_585 : i32 to index
        %get3A_587 = tpu.vector_load %arg7[%get3A_586] {strides = array<i32>} : memref<5136xf32, #tpu.memory_space<vmem>>, vector<16xf32>,
        %get3A_588 = vector.shape_cast %get3A_587 : vector<16xf32> to vector<16xf32>
        %add3A_589 = arith.constant 2560 : i32
        %add3A_590 = arith.addi %add3A_589, %add3A_576 : i32
        %multiple_of3A_591 = tpu.assume_multiple %add3A_590, 16 : i32
        %get3A_592 = arith.index_cast %multiple_of3A_591 : i32 to index
        %get3A_593 = tpu.vector_load %arg7[%get3A_592] {strides = array<i32>} : memref<5136xf32, #tpu.memory_space<vmem>>, vector<16xf32>,
        %get3A_594 = vector.shape_cast %get3A_593 : vector<16xf32> to vector<16xf32>
        %add3A_595 = arith.constant 3840 : i32
        %add3A_596 = arith.addi %add3A_595, %add3A_576 : i32
        %multiple_of3A_597 = tpu.assume_multiple %add3A_596, 16 : i32
        %get3A_598 = arith.index_cast %multiple_of3A_597 : i32 to index
        %get3A_599 = tpu.vector_load %arg7[%get3A_598] {strides = array<i32>} : memref<5136xf32, #tpu.memory_space<vmem>>, vector<16xf32>,
        %get3A_600 = vector.shape_cast %get3A_599 : vector<16xf32> to vector<16xf32>
        %get3A_601 = arith.index_cast %add3A_576 : i32 to index
        %get3A_602 = tpu.vector_load %arg8[%get3A_601] {strides = array<i32>} : memref<1296xf32, #tpu.memory_space<vmem>>, vector<16xf32>,
        %get3A_603 = vector.shape_cast %get3A_602 : vector<16xf32> to vector<16xf32>
        %sub3A_604 = arith.subf %get3A_594, %get3A_582 : vector<16xf32>
        %sub3A_605 = arith.subf %get3A_600, %get3A_588 : vector<16xf32>
        %mul3A_606 = arith.mulf %sub3A_604, %sub3A_605 : vector<16xf32>
        %max3A = vector.broadcast %squeeze3A_546 : f32 to vector<16xf32>
        %max3A_607 = arith.maximumf %get3A_582, %max3A : vector<16xf32>
        %max3A_608 = vector.broadcast %squeeze3A_548 : f32 to vector<16xf32>
        %max3A_609 = arith.maximumf %get3A_588, %max3A_608 : vector<16xf32>
        %min3A = vector.broadcast %squeeze3A_550 : f32 to vector<16xf32>
        %min3A_610 = arith.minimumf %get3A_594, %min3A : vector<16xf32>
        %min3A_611 = vector.broadcast %squeeze3A_552 : f32 to vector<16xf32>
        %min3A_612 = arith.minimumf %get3A_600, %min3A_611 : vector<16xf32>
        %sub3A_613 = arith.subf %min3A_610, %max3A_607 : vector<16xf32>
        %max3A_614 = arith.constant 0.000000e+00 : f32
        %max3A_615 = vector.broadcast %max3A_614 : f32 to vector<16xf32>
        %max3A_616 = arith.maximumf %sub3A_613, %max3A_615 : vector<16xf32>
        %sub3A_617 = arith.subf %min3A_612, %max3A_609 : vector<16xf32>
        %max3A_618 = arith.constant 0.000000e+00 : f32
        %max3A_619 = vector.broadcast %max3A_618 : f32 to vector<16xf32>
        %max3A_620 = arith.maximumf %sub3A_617, %max3A_619 : vector<16xf32>
        %mul3A_621 = arith.mulf %max3A_616, %max3A_620 : vector<16xf32>
        %add3A_622 = vector.broadcast %mul3A_560 : f32 to vector<16xf32>
        %add3A_623 = arith.addf %mul3A_606, %add3A_622 : vector<16xf32>
        %sub3A_624 = arith.subf %add3A_623, %mul3A_621 : vector<16xf32>
        %add3A_625 = arith.constant 9.99999971E-10 : f32
        %add3A_626 = vector.broadcast %add3A_625 : f32 to vector<16xf32>
        %add3A_627 = arith.addf %sub3A_624, %add3A_626 : vector<16xf32>
        %div3A = arith.divf %mul3A_621, %add3A_627 : vector<16xf32>
        %le3A = vector.broadcast %select_n3A_563 : f32 to vector<16xf32>
        %le3A_628 = arith.cmpf ole, %div3A, %le3A : vector<16xf32>
        %jit3A_629 = arith.constant -1.000000e+00 : f32
        %broadcast_in_dim3A_630 = vector.broadcast %jit3A_629 : f32 to vector<16xf32>
        %select_n3A_631 = arith.select %le3A_628, %get3A_603, %broadcast_in_dim3A_630 : vector<16xi1>, vector<16xf32>
        %swap3A_632 = arith.index_cast %add3A_576 : i32 to index
        %swap3A_633 = tpu.vector_load %arg8[%swap3A_632] {strides = array<i32>} : memref<1296xf32, #tpu.memory_space<vmem>>, vector<16xf32>,
        %swap3A_634 = vector.shape_cast %swap3A_633 : vector<16xf32> to vector<16xf32>
        %swap3A_635 = vector.shape_cast %select_n3A_631 : vector<16xf32> to vector<16xf32>
        tpu.vector_store %arg8[%swap3A_632], %swap3A_635 {strides = array<i32>} : memref<1296xf32, #tpu.memory_space<vmem>>, vector<16xf32>,
        %gt3A_636 = arith.cmpf ogt, %select_n3A_631, %scan3A_571 : vector<16xf32>
        %select_n3A_637 = arith.select %gt3A_636, %select_n3A_631, %scan3A_571 : vector<16xi1>, vector<16xf32>
        %add3A_638 = arith.addi %mul3A_0, %add3A_576 : i32
        %add3A_639 = vector.broadcast %add3A_638 : i32 to vector<16xi32>
        %add3A_640 = arith.addi %add3A_639, %iota3A : vector<16xi32>
        %select_n3A_641 = arith.select %gt3A_636, %add3A_640, %scan3A_572 : vector<16xi1>, vector<16xi32>
        %mul3A_642 = arith.constant 128 : i32
        %mul3A_643 = arith.muli %scan3A_570, %mul3A_642 : i32
        %add3A_644 = arith.constant 16 : i32
        %add3A_645 = arith.addi %mul3A_643, %add3A_644 : i32
        %add3A_646 = arith.constant 0 : i32
        %add3A_647 = arith.addi %add3A_646, %add3A_645 : i32
        %multiple_of3A_648 = tpu.assume_multiple %add3A_647, 16 : i32
        %get3A_649 = arith.index_cast %multiple_of3A_648 : i32 to index
        %get3A_650 = tpu.vector_load %arg7[%get3A_649] {strides = array<i32>} : memref<5136xf32, #tpu.memory_space<vmem>>, vector<16xf32>,
        %get3A_651 = vector.shape_cast %get3A_650 : vector<16xf32> to vector<16xf32>
        %add3A_652 = arith.constant 1280 : i32
        %add3A_653 = arith.addi %add3A_652, %add3A_645 : i32
        %multiple_of3A_654 = tpu.assume_multiple %add3A_653, 16 : i32
        %get3A_655 = arith.index_cast %multiple_of3A_654 : i32 to index
        %get3A_656 = tpu.vector_load %arg7[%get3A_655] {strides = array<i32>} : memref<5136xf32, #tpu.memory_space<vmem>>, vector<16xf32>,
        %get3A_657 = vector.shape_cast %get3A_656 : vector<16xf32> to vector<16xf32>
        %add3A_658 = arith.constant 2560 : i32
        %add3A_659 = arith.addi %add3A_658, %add3A_645 : i32
        %multiple_of3A_660 = tpu.assume_multiple %add3A_659, 16 : i32
        %get3A_661 = arith.index_cast %multiple_of3A_660 : i32 to index
        %get3A_662 = tpu.vector_load %arg7[%get3A_661] {strides = array<i32>} : memref<5136xf32, #tpu.memory_space<vmem>>, vector<16xf32>,
        %get3A_663 = vector.shape_cast %get3A_662 : vector<16xf32> to vector<16xf32>
        %add3A_664 = arith.constant 3840 : i32
        %add3A_665 = arith.addi %add3A_664, %add3A_645 : i32
        %multiple_of3A_666 = tpu.assume_multiple %add3A_665, 16 : i32
        %get3A_667 = arith.index_cast %multiple_of3A_666 : i32 to index
        %get3A_668 = tpu.vector_load %arg7[%get3A_667] {strides = array<i32>} : memref<5136xf32, #tpu.memory_space<vmem>>, vector<16xf32>,
        %get3A_669 = vector.shape_cast %get3A_668 : vector<16xf32> to vector<16xf32>
        %get3A_670 = arith.index_cast %add3A_645 : i32 to index
        %get3A_671 = tpu.vector_load %arg8[%get3A_670] {strides = array<i32>} : memref<1296xf32, #tpu.memory_space<vmem>>, vector<16xf32>,
        %get3A_672 = vector.shape_cast %get3A_671 : vector<16xf32> to vector<16xf32>
        %sub3A_673 = arith.subf %get3A_663, %get3A_651 : vector<16xf32>
        %sub3A_674 = arith.subf %get3A_669, %get3A_657 : vector<16xf32>
        %mul3A_675 = arith.mulf %sub3A_673, %sub3A_674 : vector<16xf32>
        %max3A_676 = vector.broadcast %squeeze3A_546 : f32 to vector<16xf32>
        %max3A_677 = arith.maximumf %get3A_651, %max3A_676 : vector<16xf32>
        %max3A_678 = vector.broadcast %squeeze3A_548 : f32 to vector<16xf32>
        %max3A_679 = arith.maximumf %get3A_657, %max3A_678 : vector<16xf32>
        %min3A_680 = vector.broadcast %squeeze3A_550 : f32 to vector<16xf32>
        %min3A_681 = arith.minimumf %get3A_663, %min3A_680 : vector<16xf32>
        %min3A_682 = vector.broadcast %squeeze3A_552 : f32 to vector<16xf32>
        %min3A_683 = arith.minimumf %get3A_669, %min3A_682 : vector<16xf32>
        %sub3A_684 = arith.subf %min3A_681, %max3A_677 : vector<16xf32>
        %max3A_685 = arith.constant 0.000000e+00 : f32
        %max3A_686 = vector.broadcast %max3A_685 : f32 to vector<16xf32>
        %max3A_687 = arith.maximumf %sub3A_684, %max3A_686 : vector<16xf32>
        %sub3A_688 = arith.subf %min3A_683, %max3A_679 : vector<16xf32>
        %max3A_689 = arith.constant 0.000000e+00 : f32
        %max3A_690 = vector.broadcast %max3A_689 : f32 to vector<16xf32>
        %max3A_691 = arith.maximumf %sub3A_688, %max3A_690 : vector<16xf32>
        %mul3A_692 = arith.mulf %max3A_687, %max3A_691 : vector<16xf32>
        %add3A_693 = vector.broadcast %mul3A_560 : f32 to vector<16xf32>
        %add3A_694 = arith.addf %mul3A_675, %add3A_693 : vector<16xf32>
        %sub3A_695 = arith.subf %add3A_694, %mul3A_692 : vector<16xf32>
        %add3A_696 = arith.constant 9.99999971E-10 : f32
        %add3A_697 = vector.broadcast %add3A_696 : f32 to vector<16xf32>
        %add3A_698 = arith.addf %sub3A_695, %add3A_697 : vector<16xf32>
        %div3A_699 = arith.divf %mul3A_692, %add3A_698 : vector<16xf32>
        %le3A_700 = vector.broadcast %select_n3A_563 : f32 to vector<16xf32>
        %le3A_701 = arith.cmpf ole, %div3A_699, %le3A_700 : vector<16xf32>
        %jit3A_702 = arith.constant -1.000000e+00 : f32
        %broadcast_in_dim3A_703 = vector.broadcast %jit3A_702 : f32 to vector<16xf32>
        %select_n3A_704 = arith.select %le3A_701, %get3A_672, %broadcast_in_dim3A_703 : vector<16xi1>, vector<16xf32>
        %swap3A_705 = arith.index_cast %add3A_645 : i32 to index
        %swap3A_706 = tpu.vector_load %arg8[%swap3A_705] {strides = array<i32>} : memref<1296xf32, #tpu.memory_space<vmem>>, vector<16xf32>,
        %swap3A_707 = vector.shape_cast %swap3A_706 : vector<16xf32> to vector<16xf32>
        %swap3A_708 = vector.shape_cast %select_n3A_704 : vector<16xf32> to vector<16xf32>
        tpu.vector_store %arg8[%swap3A_705], %swap3A_708 {strides = array<i32>} : memref<1296xf32, #tpu.memory_space<vmem>>, vector<16xf32>,
        %gt3A_709 = arith.cmpf ogt, %select_n3A_704, %select_n3A_637 : vector<16xf32>
        %select_n3A_710 = arith.select %gt3A_709, %select_n3A_704, %select_n3A_637 : vector<16xi1>, vector<16xf32>
        %add3A_711 = arith.addi %mul3A_0, %add3A_645 : i32
        %add3A_712 = vector.broadcast %add3A_711 : i32 to vector<16xi32>
        %add3A_713 = arith.addi %add3A_712, %iota3A : vector<16xi32>
        %select_n3A_714 = arith.select %gt3A_709, %add3A_713, %select_n3A_641 : vector<16xi1>, vector<16xi32>
        %mul3A_715 = arith.constant 128 : i32
        %mul3A_716 = arith.muli %scan3A_570, %mul3A_715 : i32
        %add3A_717 = arith.constant 32 : i32
        %add3A_718 = arith.addi %mul3A_716, %add3A_717 : i32
        %add3A_719 = arith.constant 0 : i32
        %add3A_720 = arith.addi %add3A_719, %add3A_718 : i32
        %multiple_of3A_721 = tpu.assume_multiple %add3A_720, 16 : i32
        %get3A_722 = arith.index_cast %multiple_of3A_721 : i32 to index
        %get3A_723 = tpu.vector_load %arg7[%get3A_722] {strides = array<i32>} : memref<5136xf32, #tpu.memory_space<vmem>>, vector<16xf32>,
        %get3A_724 = vector.shape_cast %get3A_723 : vector<16xf32> to vector<16xf32>
        %add3A_725 = arith.constant 1280 : i32
        %add3A_726 = arith.addi %add3A_725, %add3A_718 : i32
        %multiple_of3A_727 = tpu.assume_multiple %add3A_726, 16 : i32
        %get3A_728 = arith.index_cast %multiple_of3A_727 : i32 to index
        %get3A_729 = tpu.vector_load %arg7[%get3A_728] {strides = array<i32>} : memref<5136xf32, #tpu.memory_space<vmem>>, vector<16xf32>,
        %get3A_730 = vector.shape_cast %get3A_729 : vector<16xf32> to vector<16xf32>
        %add3A_731 = arith.constant 2560 : i32
        %add3A_732 = arith.addi %add3A_731, %add3A_718 : i32
        %multiple_of3A_733 = tpu.assume_multiple %add3A_732, 16 : i32
        %get3A_734 = arith.index_cast %multiple_of3A_733 : i32 to index
        %get3A_735 = tpu.vector_load %arg7[%get3A_734] {strides = array<i32>} : memref<5136xf32, #tpu.memory_space<vmem>>, vector<16xf32>,
        %get3A_736 = vector.shape_cast %get3A_735 : vector<16xf32> to vector<16xf32>
        %add3A_737 = arith.constant 3840 : i32
        %add3A_738 = arith.addi %add3A_737, %add3A_718 : i32
        %multiple_of3A_739 = tpu.assume_multiple %add3A_738, 16 : i32
        %get3A_740 = arith.index_cast %multiple_of3A_739 : i32 to index
        %get3A_741 = tpu.vector_load %arg7[%get3A_740] {strides = array<i32>} : memref<5136xf32, #tpu.memory_space<vmem>>, vector<16xf32>,
        %get3A_742 = vector.shape_cast %get3A_741 : vector<16xf32> to vector<16xf32>
        %get3A_743 = arith.index_cast %add3A_718 : i32 to index
        %get3A_744 = tpu.vector_load %arg8[%get3A_743] {strides = array<i32>} : memref<1296xf32, #tpu.memory_space<vmem>>, vector<16xf32>,
        %get3A_745 = vector.shape_cast %get3A_744 : vector<16xf32> to vector<16xf32>
        %sub3A_746 = arith.subf %get3A_736, %get3A_724 : vector<16xf32>
        %sub3A_747 = arith.subf %get3A_742, %get3A_730 : vector<16xf32>
        %mul3A_748 = arith.mulf %sub3A_746, %sub3A_747 : vector<16xf32>
        %max3A_749 = vector.broadcast %squeeze3A_546 : f32 to vector<16xf32>
        %max3A_750 = arith.maximumf %get3A_724, %max3A_749 : vector<16xf32>
        %max3A_751 = vector.broadcast %squeeze3A_548 : f32 to vector<16xf32>
        %max3A_752 = arith.maximumf %get3A_730, %max3A_751 : vector<16xf32>
        %min3A_753 = vector.broadcast %squeeze3A_550 : f32 to vector<16xf32>
        %min3A_754 = arith.minimumf %get3A_736, %min3A_753 : vector<16xf32>
        %min3A_755 = vector.broadcast %squeeze3A_552 : f32 to vector<16xf32>
        %min3A_756 = arith.minimumf %get3A_742, %min3A_755 : vector<16xf32>
        %sub3A_757 = arith.subf %min3A_754, %max3A_750 : vector<16xf32>
        %max3A_758 = arith.constant 0.000000e+00 : f32
        %max3A_759 = vector.broadcast %max3A_758 : f32 to vector<16xf32>
        %max3A_760 = arith.maximumf %sub3A_757, %max3A_759 : vector<16xf32>
        %sub3A_761 = arith.subf %min3A_756, %max3A_752 : vector<16xf32>
        %max3A_762 = arith.constant 0.000000e+00 : f32
        %max3A_763 = vector.broadcast %max3A_762 : f32 to vector<16xf32>
        %max3A_764 = arith.maximumf %sub3A_761, %max3A_763 : vector<16xf32>
        %mul3A_765 = arith.mulf %max3A_760, %max3A_764 : vector<16xf32>
        %add3A_766 = vector.broadcast %mul3A_560 : f32 to vector<16xf32>
        %add3A_767 = arith.addf %mul3A_748, %add3A_766 : vector<16xf32>
        %sub3A_768 = arith.subf %add3A_767, %mul3A_765 : vector<16xf32>
        %add3A_769 = arith.constant 9.99999971E-10 : f32
        %add3A_770 = vector.broadcast %add3A_769 : f32 to vector<16xf32>
        %add3A_771 = arith.addf %sub3A_768, %add3A_770 : vector<16xf32>
        %div3A_772 = arith.divf %mul3A_765, %add3A_771 : vector<16xf32>
        %le3A_773 = vector.broadcast %select_n3A_563 : f32 to vector<16xf32>
        %le3A_774 = arith.cmpf ole, %div3A_772, %le3A_773 : vector<16xf32>
        %jit3A_775 = arith.constant -1.000000e+00 : f32
        %broadcast_in_dim3A_776 = vector.broadcast %jit3A_775 : f32 to vector<16xf32>
        %select_n3A_777 = arith.select %le3A_774, %get3A_745, %broadcast_in_dim3A_776 : vector<16xi1>, vector<16xf32>
        %swap3A_778 = arith.index_cast %add3A_718 : i32 to index
        %swap3A_779 = tpu.vector_load %arg8[%swap3A_778] {strides = array<i32>} : memref<1296xf32, #tpu.memory_space<vmem>>, vector<16xf32>,
        %swap3A_780 = vector.shape_cast %swap3A_779 : vector<16xf32> to vector<16xf32>
        %swap3A_781 = vector.shape_cast %select_n3A_777 : vector<16xf32> to vector<16xf32>
        tpu.vector_store %arg8[%swap3A_778], %swap3A_781 {strides = array<i32>} : memref<1296xf32, #tpu.memory_space<vmem>>, vector<16xf32>,
        %gt3A_782 = arith.cmpf ogt, %select_n3A_777, %select_n3A_710 : vector<16xf32>
        %select_n3A_783 = arith.select %gt3A_782, %select_n3A_777, %select_n3A_710 : vector<16xi1>, vector<16xf32>
        %add3A_784 = arith.addi %mul3A_0, %add3A_718 : i32
        %add3A_785 = vector.broadcast %add3A_784 : i32 to vector<16xi32>
        %add3A_786 = arith.addi %add3A_785, %iota3A : vector<16xi32>
        %select_n3A_787 = arith.select %gt3A_782, %add3A_786, %select_n3A_714 : vector<16xi1>, vector<16xi32>
        %mul3A_788 = arith.constant 128 : i32
        %mul3A_789 = arith.muli %scan3A_570, %mul3A_788 : i32
        %add3A_790 = arith.constant 48 : i32
        %add3A_791 = arith.addi %mul3A_789, %add3A_790 : i32
        %add3A_792 = arith.constant 0 : i32
        %add3A_793 = arith.addi %add3A_792, %add3A_791 : i32
        %multiple_of3A_794 = tpu.assume_multiple %add3A_793, 16 : i32
        %get3A_795 = arith.index_cast %multiple_of3A_794 : i32 to index
        %get3A_796 = tpu.vector_load %arg7[%get3A_795] {strides = array<i32>} : memref<5136xf32, #tpu.memory_space<vmem>>, vector<16xf32>,
        %get3A_797 = vector.shape_cast %get3A_796 : vector<16xf32> to vector<16xf32>
        %add3A_798 = arith.constant 1280 : i32
        %add3A_799 = arith.addi %add3A_798, %add3A_791 : i32
        %multiple_of3A_800 = tpu.assume_multiple %add3A_799, 16 : i32
        %get3A_801 = arith.index_cast %multiple_of3A_800 : i32 to index
        %get3A_802 = tpu.vector_load %arg7[%get3A_801] {strides = array<i32>} : memref<5136xf32, #tpu.memory_space<vmem>>, vector<16xf32>,
        %get3A_803 = vector.shape_cast %get3A_802 : vector<16xf32> to vector<16xf32>
        %add3A_804 = arith.constant 2560 : i32
        %add3A_805 = arith.addi %add3A_804, %add3A_791 : i32
        %multiple_of3A_806 = tpu.assume_multiple %add3A_805, 16 : i32
        %get3A_807 = arith.index_cast %multiple_of3A_806 : i32 to index
        %get3A_808 = tpu.vector_load %arg7[%get3A_807] {strides = array<i32>} : memref<5136xf32, #tpu.memory_space<vmem>>, vector<16xf32>,
        %get3A_809 = vector.shape_cast %get3A_808 : vector<16xf32> to vector<16xf32>
        %add3A_810 = arith.constant 3840 : i32
        %add3A_811 = arith.addi %add3A_810, %add3A_791 : i32
        %multiple_of3A_812 = tpu.assume_multiple %add3A_811, 16 : i32
        %get3A_813 = arith.index_cast %multiple_of3A_812 : i32 to index
        %get3A_814 = tpu.vector_load %arg7[%get3A_813] {strides = array<i32>} : memref<5136xf32, #tpu.memory_space<vmem>>, vector<16xf32>,
        %get3A_815 = vector.shape_cast %get3A_814 : vector<16xf32> to vector<16xf32>
        %get3A_816 = arith.index_cast %add3A_791 : i32 to index
        %get3A_817 = tpu.vector_load %arg8[%get3A_816] {strides = array<i32>} : memref<1296xf32, #tpu.memory_space<vmem>>, vector<16xf32>,
        %get3A_818 = vector.shape_cast %get3A_817 : vector<16xf32> to vector<16xf32>
        %sub3A_819 = arith.subf %get3A_809, %get3A_797 : vector<16xf32>
        %sub3A_820 = arith.subf %get3A_815, %get3A_803 : vector<16xf32>
        %mul3A_821 = arith.mulf %sub3A_819, %sub3A_820 : vector<16xf32>
        %max3A_822 = vector.broadcast %squeeze3A_546 : f32 to vector<16xf32>
        %max3A_823 = arith.maximumf %get3A_797, %max3A_822 : vector<16xf32>
        %max3A_824 = vector.broadcast %squeeze3A_548 : f32 to vector<16xf32>
        %max3A_825 = arith.maximumf %get3A_803, %max3A_824 : vector<16xf32>
        %min3A_826 = vector.broadcast %squeeze3A_550 : f32 to vector<16xf32>
        %min3A_827 = arith.minimumf %get3A_809, %min3A_826 : vector<16xf32>
        %min3A_828 = vector.broadcast %squeeze3A_552 : f32 to vector<16xf32>
        %min3A_829 = arith.minimumf %get3A_815, %min3A_828 : vector<16xf32>
        %sub3A_830 = arith.subf %min3A_827, %max3A_823 : vector<16xf32>
        %max3A_831 = arith.constant 0.000000e+00 : f32
        %max3A_832 = vector.broadcast %max3A_831 : f32 to vector<16xf32>
        %max3A_833 = arith.maximumf %sub3A_830, %max3A_832 : vector<16xf32>
        %sub3A_834 = arith.subf %min3A_829, %max3A_825 : vector<16xf32>
        %max3A_835 = arith.constant 0.000000e+00 : f32
        %max3A_836 = vector.broadcast %max3A_835 : f32 to vector<16xf32>
        %max3A_837 = arith.maximumf %sub3A_834, %max3A_836 : vector<16xf32>
        %mul3A_838 = arith.mulf %max3A_833, %max3A_837 : vector<16xf32>
        %add3A_839 = vector.broadcast %mul3A_560 : f32 to vector<16xf32>
        %add3A_840 = arith.addf %mul3A_821, %add3A_839 : vector<16xf32>
        %sub3A_841 = arith.subf %add3A_840, %mul3A_838 : vector<16xf32>
        %add3A_842 = arith.constant 9.99999971E-10 : f32
        %add3A_843 = vector.broadcast %add3A_842 : f32 to vector<16xf32>
        %add3A_844 = arith.addf %sub3A_841, %add3A_843 : vector<16xf32>
        %div3A_845 = arith.divf %mul3A_838, %add3A_844 : vector<16xf32>
        %le3A_846 = vector.broadcast %select_n3A_563 : f32 to vector<16xf32>
        %le3A_847 = arith.cmpf ole, %div3A_845, %le3A_846 : vector<16xf32>
        %jit3A_848 = arith.constant -1.000000e+00 : f32
        %broadcast_in_dim3A_849 = vector.broadcast %jit3A_848 : f32 to vector<16xf32>
        %select_n3A_850 = arith.select %le3A_847, %get3A_818, %broadcast_in_dim3A_849 : vector<16xi1>, vector<16xf32>
        %swap3A_851 = arith.index_cast %add3A_791 : i32 to index
        %swap3A_852 = tpu.vector_load %arg8[%swap3A_851] {strides = array<i32>} : memref<1296xf32, #tpu.memory_space<vmem>>, vector<16xf32>,
        %swap3A_853 = vector.shape_cast %swap3A_852 : vector<16xf32> to vector<16xf32>
        %swap3A_854 = vector.shape_cast %select_n3A_850 : vector<16xf32> to vector<16xf32>
        tpu.vector_store %arg8[%swap3A_851], %swap3A_854 {strides = array<i32>} : memref<1296xf32, #tpu.memory_space<vmem>>, vector<16xf32>,
        %gt3A_855 = arith.cmpf ogt, %select_n3A_850, %select_n3A_783 : vector<16xf32>
        %select_n3A_856 = arith.select %gt3A_855, %select_n3A_850, %select_n3A_783 : vector<16xi1>, vector<16xf32>
        %add3A_857 = arith.addi %mul3A_0, %add3A_791 : i32
        %add3A_858 = vector.broadcast %add3A_857 : i32 to vector<16xi32>
        %add3A_859 = arith.addi %add3A_858, %iota3A : vector<16xi32>
        %select_n3A_860 = arith.select %gt3A_855, %add3A_859, %select_n3A_787 : vector<16xi1>, vector<16xi32>
        %mul3A_861 = arith.constant 128 : i32
        %mul3A_862 = arith.muli %scan3A_570, %mul3A_861 : i32
        %add3A_863 = arith.constant 64 : i32
        %add3A_864 = arith.addi %mul3A_862, %add3A_863 : i32
        %add3A_865 = arith.constant 0 : i32
        %add3A_866 = arith.addi %add3A_865, %add3A_864 : i32
        %multiple_of3A_867 = tpu.assume_multiple %add3A_866, 16 : i32
        %get3A_868 = arith.index_cast %multiple_of3A_867 : i32 to index
        %get3A_869 = tpu.vector_load %arg7[%get3A_868] {strides = array<i32>} : memref<5136xf32, #tpu.memory_space<vmem>>, vector<16xf32>,
        %get3A_870 = vector.shape_cast %get3A_869 : vector<16xf32> to vector<16xf32>
        %add3A_871 = arith.constant 1280 : i32
        %add3A_872 = arith.addi %add3A_871, %add3A_864 : i32
        %multiple_of3A_873 = tpu.assume_multiple %add3A_872, 16 : i32
        %get3A_874 = arith.index_cast %multiple_of3A_873 : i32 to index
        %get3A_875 = tpu.vector_load %arg7[%get3A_874] {strides = array<i32>} : memref<5136xf32, #tpu.memory_space<vmem>>, vector<16xf32>,
        %get3A_876 = vector.shape_cast %get3A_875 : vector<16xf32> to vector<16xf32>
        %add3A_877 = arith.constant 2560 : i32
        %add3A_878 = arith.addi %add3A_877, %add3A_864 : i32
        %multiple_of3A_879 = tpu.assume_multiple %add3A_878, 16 : i32
        %get3A_880 = arith.index_cast %multiple_of3A_879 : i32 to index
        %get3A_881 = tpu.vector_load %arg7[%get3A_880] {strides = array<i32>} : memref<5136xf32, #tpu.memory_space<vmem>>, vector<16xf32>,
        %get3A_882 = vector.shape_cast %get3A_881 : vector<16xf32> to vector<16xf32>
        %add3A_883 = arith.constant 3840 : i32
        %add3A_884 = arith.addi %add3A_883, %add3A_864 : i32
        %multiple_of3A_885 = tpu.assume_multiple %add3A_884, 16 : i32
        %get3A_886 = arith.index_cast %multiple_of3A_885 : i32 to index
        %get3A_887 = tpu.vector_load %arg7[%get3A_886] {strides = array<i32>} : memref<5136xf32, #tpu.memory_space<vmem>>, vector<16xf32>,
        %get3A_888 = vector.shape_cast %get3A_887 : vector<16xf32> to vector<16xf32>
        %get3A_889 = arith.index_cast %add3A_864 : i32 to index
        %get3A_890 = tpu.vector_load %arg8[%get3A_889] {strides = array<i32>} : memref<1296xf32, #tpu.memory_space<vmem>>, vector<16xf32>,
        %get3A_891 = vector.shape_cast %get3A_890 : vector<16xf32> to vector<16xf32>
        %sub3A_892 = arith.subf %get3A_882, %get3A_870 : vector<16xf32>
        %sub3A_893 = arith.subf %get3A_888, %get3A_876 : vector<16xf32>
        %mul3A_894 = arith.mulf %sub3A_892, %sub3A_893 : vector<16xf32>
        %max3A_895 = vector.broadcast %squeeze3A_546 : f32 to vector<16xf32>
        %max3A_896 = arith.maximumf %get3A_870, %max3A_895 : vector<16xf32>
        %max3A_897 = vector.broadcast %squeeze3A_548 : f32 to vector<16xf32>
        %max3A_898 = arith.maximumf %get3A_876, %max3A_897 : vector<16xf32>
        %min3A_899 = vector.broadcast %squeeze3A_550 : f32 to vector<16xf32>
        %min3A_900 = arith.minimumf %get3A_882, %min3A_899 : vector<16xf32>
        %min3A_901 = vector.broadcast %squeeze3A_552 : f32 to vector<16xf32>
        %min3A_902 = arith.minimumf %get3A_888, %min3A_901 : vector<16xf32>
        %sub3A_903 = arith.subf %min3A_900, %max3A_896 : vector<16xf32>
        %max3A_904 = arith.constant 0.000000e+00 : f32
        %max3A_905 = vector.broadcast %max3A_904 : f32 to vector<16xf32>
        %max3A_906 = arith.maximumf %sub3A_903, %max3A_905 : vector<16xf32>
        %sub3A_907 = arith.subf %min3A_902, %max3A_898 : vector<16xf32>
        %max3A_908 = arith.constant 0.000000e+00 : f32
        %max3A_909 = vector.broadcast %max3A_908 : f32 to vector<16xf32>
        %max3A_910 = arith.maximumf %sub3A_907, %max3A_909 : vector<16xf32>
        %mul3A_911 = arith.mulf %max3A_906, %max3A_910 : vector<16xf32>
        %add3A_912 = vector.broadcast %mul3A_560 : f32 to vector<16xf32>
        %add3A_913 = arith.addf %mul3A_894, %add3A_912 : vector<16xf32>
        %sub3A_914 = arith.subf %add3A_913, %mul3A_911 : vector<16xf32>
        %add3A_915 = arith.constant 9.99999971E-10 : f32
        %add3A_916 = vector.broadcast %add3A_915 : f32 to vector<16xf32>
        %add3A_917 = arith.addf %sub3A_914, %add3A_916 : vector<16xf32>
        %div3A_918 = arith.divf %mul3A_911, %add3A_917 : vector<16xf32>
        %le3A_919 = vector.broadcast %select_n3A_563 : f32 to vector<16xf32>
        %le3A_920 = arith.cmpf ole, %div3A_918, %le3A_919 : vector<16xf32>
        %jit3A_921 = arith.constant -1.000000e+00 : f32
        %broadcast_in_dim3A_922 = vector.broadcast %jit3A_921 : f32 to vector<16xf32>
        %select_n3A_923 = arith.select %le3A_920, %get3A_891, %broadcast_in_dim3A_922 : vector<16xi1>, vector<16xf32>
        %swap3A_924 = arith.index_cast %add3A_864 : i32 to index
        %swap3A_925 = tpu.vector_load %arg8[%swap3A_924] {strides = array<i32>} : memref<1296xf32, #tpu.memory_space<vmem>>, vector<16xf32>,
        %swap3A_926 = vector.shape_cast %swap3A_925 : vector<16xf32> to vector<16xf32>
        %swap3A_927 = vector.shape_cast %select_n3A_923 : vector<16xf32> to vector<16xf32>
        tpu.vector_store %arg8[%swap3A_924], %swap3A_927 {strides = array<i32>} : memref<1296xf32, #tpu.memory_space<vmem>>, vector<16xf32>,
        %gt3A_928 = arith.cmpf ogt, %select_n3A_923, %select_n3A_856 : vector<16xf32>
        %select_n3A_929 = arith.select %gt3A_928, %select_n3A_923, %select_n3A_856 : vector<16xi1>, vector<16xf32>
        %add3A_930 = arith.addi %mul3A_0, %add3A_864 : i32
        %add3A_931 = vector.broadcast %add3A_930 : i32 to vector<16xi32>
        %add3A_932 = arith.addi %add3A_931, %iota3A : vector<16xi32>
        %select_n3A_933 = arith.select %gt3A_928, %add3A_932, %select_n3A_860 : vector<16xi1>, vector<16xi32>
        %mul3A_934 = arith.constant 128 : i32
        %mul3A_935 = arith.muli %scan3A_570, %mul3A_934 : i32
        %add3A_936 = arith.constant 80 : i32
        %add3A_937 = arith.addi %mul3A_935, %add3A_936 : i32
        %add3A_938 = arith.constant 0 : i32
        %add3A_939 = arith.addi %add3A_938, %add3A_937 : i32
        %multiple_of3A_940 = tpu.assume_multiple %add3A_939, 16 : i32
        %get3A_941 = arith.index_cast %multiple_of3A_940 : i32 to index
        %get3A_942 = tpu.vector_load %arg7[%get3A_941] {strides = array<i32>} : memref<5136xf32, #tpu.memory_space<vmem>>, vector<16xf32>,
        %get3A_943 = vector.shape_cast %get3A_942 : vector<16xf32> to vector<16xf32>
        %add3A_944 = arith.constant 1280 : i32
        %add3A_945 = arith.addi %add3A_944, %add3A_937 : i32
        %multiple_of3A_946 = tpu.assume_multiple %add3A_945, 16 : i32
        %get3A_947 = arith.index_cast %multiple_of3A_946 : i32 to index
        %get3A_948 = tpu.vector_load %arg7[%get3A_947] {strides = array<i32>} : memref<5136xf32, #tpu.memory_space<vmem>>, vector<16xf32>,
        %get3A_949 = vector.shape_cast %get3A_948 : vector<16xf32> to vector<16xf32>
        %add3A_950 = arith.constant 2560 : i32
        %add3A_951 = arith.addi %add3A_950, %add3A_937 : i32
        %multiple_of3A_952 = tpu.assume_multiple %add3A_951, 16 : i32
        %get3A_953 = arith.index_cast %multiple_of3A_952 : i32 to index
        %get3A_954 = tpu.vector_load %arg7[%get3A_953] {strides = array<i32>} : memref<5136xf32, #tpu.memory_space<vmem>>, vector<16xf32>,
        %get3A_955 = vector.shape_cast %get3A_954 : vector<16xf32> to vector<16xf32>
        %add3A_956 = arith.constant 3840 : i32
        %add3A_957 = arith.addi %add3A_956, %add3A_937 : i32
        %multiple_of3A_958 = tpu.assume_multiple %add3A_957, 16 : i32
        %get3A_959 = arith.index_cast %multiple_of3A_958 : i32 to index
        %get3A_960 = tpu.vector_load %arg7[%get3A_959] {strides = array<i32>} : memref<5136xf32, #tpu.memory_space<vmem>>, vector<16xf32>,
        %get3A_961 = vector.shape_cast %get3A_960 : vector<16xf32> to vector<16xf32>
        %get3A_962 = arith.index_cast %add3A_937 : i32 to index
        %get3A_963 = tpu.vector_load %arg8[%get3A_962] {strides = array<i32>} : memref<1296xf32, #tpu.memory_space<vmem>>, vector<16xf32>,
        %get3A_964 = vector.shape_cast %get3A_963 : vector<16xf32> to vector<16xf32>
        %sub3A_965 = arith.subf %get3A_955, %get3A_943 : vector<16xf32>
        %sub3A_966 = arith.subf %get3A_961, %get3A_949 : vector<16xf32>
        %mul3A_967 = arith.mulf %sub3A_965, %sub3A_966 : vector<16xf32>
        %max3A_968 = vector.broadcast %squeeze3A_546 : f32 to vector<16xf32>
        %max3A_969 = arith.maximumf %get3A_943, %max3A_968 : vector<16xf32>
        %max3A_970 = vector.broadcast %squeeze3A_548 : f32 to vector<16xf32>
        %max3A_971 = arith.maximumf %get3A_949, %max3A_970 : vector<16xf32>
        %min3A_972 = vector.broadcast %squeeze3A_550 : f32 to vector<16xf32>
        %min3A_973 = arith.minimumf %get3A_955, %min3A_972 : vector<16xf32>
        %min3A_974 = vector.broadcast %squeeze3A_552 : f32 to vector<16xf32>
        %min3A_975 = arith.minimumf %get3A_961, %min3A_974 : vector<16xf32>
        %sub3A_976 = arith.subf %min3A_973, %max3A_969 : vector<16xf32>
        %max3A_977 = arith.constant 0.000000e+00 : f32
        %max3A_978 = vector.broadcast %max3A_977 : f32 to vector<16xf32>
        %max3A_979 = arith.maximumf %sub3A_976, %max3A_978 : vector<16xf32>
        %sub3A_980 = arith.subf %min3A_975, %max3A_971 : vector<16xf32>
        %max3A_981 = arith.constant 0.000000e+00 : f32
        %max3A_982 = vector.broadcast %max3A_981 : f32 to vector<16xf32>
        %max3A_983 = arith.maximumf %sub3A_980, %max3A_982 : vector<16xf32>
        %mul3A_984 = arith.mulf %max3A_979, %max3A_983 : vector<16xf32>
        %add3A_985 = vector.broadcast %mul3A_560 : f32 to vector<16xf32>
        %add3A_986 = arith.addf %mul3A_967, %add3A_985 : vector<16xf32>
        %sub3A_987 = arith.subf %add3A_986, %mul3A_984 : vector<16xf32>
        %add3A_988 = arith.constant 9.99999971E-10 : f32
        %add3A_989 = vector.broadcast %add3A_988 : f32 to vector<16xf32>
        %add3A_990 = arith.addf %sub3A_987, %add3A_989 : vector<16xf32>
        %div3A_991 = arith.divf %mul3A_984, %add3A_990 : vector<16xf32>
        %le3A_992 = vector.broadcast %select_n3A_563 : f32 to vector<16xf32>
        %le3A_993 = arith.cmpf ole, %div3A_991, %le3A_992 : vector<16xf32>
        %jit3A_994 = arith.constant -1.000000e+00 : f32
        %broadcast_in_dim3A_995 = vector.broadcast %jit3A_994 : f32 to vector<16xf32>
        %select_n3A_996 = arith.select %le3A_993, %get3A_964, %broadcast_in_dim3A_995 : vector<16xi1>, vector<16xf32>
        %swap3A_997 = arith.index_cast %add3A_937 : i32 to index
        %swap3A_998 = tpu.vector_load %arg8[%swap3A_997] {strides = array<i32>} : memref<1296xf32, #tpu.memory_space<vmem>>, vector<16xf32>,
        %swap3A_999 = vector.shape_cast %swap3A_998 : vector<16xf32> to vector<16xf32>
        %swap3A_1000 = vector.shape_cast %select_n3A_996 : vector<16xf32> to vector<16xf32>
        tpu.vector_store %arg8[%swap3A_997], %swap3A_1000 {strides = array<i32>} : memref<1296xf32, #tpu.memory_space<vmem>>, vector<16xf32>,
        %gt3A_1001 = arith.cmpf ogt, %select_n3A_996, %select_n3A_929 : vector<16xf32>
        %select_n3A_1002 = arith.select %gt3A_1001, %select_n3A_996, %select_n3A_929 : vector<16xi1>, vector<16xf32>
        %add3A_1003 = arith.addi %mul3A_0, %add3A_937 : i32
        %add3A_1004 = vector.broadcast %add3A_1003 : i32 to vector<16xi32>
        %add3A_1005 = arith.addi %add3A_1004, %iota3A : vector<16xi32>
        %select_n3A_1006 = arith.select %gt3A_1001, %add3A_1005, %select_n3A_933 : vector<16xi1>, vector<16xi32>
        %mul3A_1007 = arith.constant 128 : i32
        %mul3A_1008 = arith.muli %scan3A_570, %mul3A_1007 : i32
        %add3A_1009 = arith.constant 96 : i32
        %add3A_1010 = arith.addi %mul3A_1008, %add3A_1009 : i32
        %add3A_1011 = arith.constant 0 : i32
        %add3A_1012 = arith.addi %add3A_1011, %add3A_1010 : i32
        %multiple_of3A_1013 = tpu.assume_multiple %add3A_1012, 16 : i32
        %get3A_1014 = arith.index_cast %multiple_of3A_1013 : i32 to index
        %get3A_1015 = tpu.vector_load %arg7[%get3A_1014] {strides = array<i32>} : memref<5136xf32, #tpu.memory_space<vmem>>, vector<16xf32>,
        %get3A_1016 = vector.shape_cast %get3A_1015 : vector<16xf32> to vector<16xf32>
        %add3A_1017 = arith.constant 1280 : i32
        %add3A_1018 = arith.addi %add3A_1017, %add3A_1010 : i32
        %multiple_of3A_1019 = tpu.assume_multiple %add3A_1018, 16 : i32
        %get3A_1020 = arith.index_cast %multiple_of3A_1019 : i32 to index
        %get3A_1021 = tpu.vector_load %arg7[%get3A_1020] {strides = array<i32>} : memref<5136xf32, #tpu.memory_space<vmem>>, vector<16xf32>,
        %get3A_1022 = vector.shape_cast %get3A_1021 : vector<16xf32> to vector<16xf32>
        %add3A_1023 = arith.constant 2560 : i32
        %add3A_1024 = arith.addi %add3A_1023, %add3A_1010 : i32
        %multiple_of3A_1025 = tpu.assume_multiple %add3A_1024, 16 : i32
        %get3A_1026 = arith.index_cast %multiple_of3A_1025 : i32 to index
        %get3A_1027 = tpu.vector_load %arg7[%get3A_1026] {strides = array<i32>} : memref<5136xf32, #tpu.memory_space<vmem>>, vector<16xf32>,
        %get3A_1028 = vector.shape_cast %get3A_1027 : vector<16xf32> to vector<16xf32>
        %add3A_1029 = arith.constant 3840 : i32
        %add3A_1030 = arith.addi %add3A_1029, %add3A_1010 : i32
        %multiple_of3A_1031 = tpu.assume_multiple %add3A_1030, 16 : i32
        %get3A_1032 = arith.index_cast %multiple_of3A_1031 : i32 to index
        %get3A_1033 = tpu.vector_load %arg7[%get3A_1032] {strides = array<i32>} : memref<5136xf32, #tpu.memory_space<vmem>>, vector<16xf32>,
        %get3A_1034 = vector.shape_cast %get3A_1033 : vector<16xf32> to vector<16xf32>
        %get3A_1035 = arith.index_cast %add3A_1010 : i32 to index
        %get3A_1036 = tpu.vector_load %arg8[%get3A_1035] {strides = array<i32>} : memref<1296xf32, #tpu.memory_space<vmem>>, vector<16xf32>,
        %get3A_1037 = vector.shape_cast %get3A_1036 : vector<16xf32> to vector<16xf32>
        %sub3A_1038 = arith.subf %get3A_1028, %get3A_1016 : vector<16xf32>
        %sub3A_1039 = arith.subf %get3A_1034, %get3A_1022 : vector<16xf32>
        %mul3A_1040 = arith.mulf %sub3A_1038, %sub3A_1039 : vector<16xf32>
        %max3A_1041 = vector.broadcast %squeeze3A_546 : f32 to vector<16xf32>
        %max3A_1042 = arith.maximumf %get3A_1016, %max3A_1041 : vector<16xf32>
        %max3A_1043 = vector.broadcast %squeeze3A_548 : f32 to vector<16xf32>
        %max3A_1044 = arith.maximumf %get3A_1022, %max3A_1043 : vector<16xf32>
        %min3A_1045 = vector.broadcast %squeeze3A_550 : f32 to vector<16xf32>
        %min3A_1046 = arith.minimumf %get3A_1028, %min3A_1045 : vector<16xf32>
        %min3A_1047 = vector.broadcast %squeeze3A_552 : f32 to vector<16xf32>
        %min3A_1048 = arith.minimumf %get3A_1034, %min3A_1047 : vector<16xf32>
        %sub3A_1049 = arith.subf %min3A_1046, %max3A_1042 : vector<16xf32>
        %max3A_1050 = arith.constant 0.000000e+00 : f32
        %max3A_1051 = vector.broadcast %max3A_1050 : f32 to vector<16xf32>
        %max3A_1052 = arith.maximumf %sub3A_1049, %max3A_1051 : vector<16xf32>
        %sub3A_1053 = arith.subf %min3A_1048, %max3A_1044 : vector<16xf32>
        %max3A_1054 = arith.constant 0.000000e+00 : f32
        %max3A_1055 = vector.broadcast %max3A_1054 : f32 to vector<16xf32>
        %max3A_1056 = arith.maximumf %sub3A_1053, %max3A_1055 : vector<16xf32>
        %mul3A_1057 = arith.mulf %max3A_1052, %max3A_1056 : vector<16xf32>
        %add3A_1058 = vector.broadcast %mul3A_560 : f32 to vector<16xf32>
        %add3A_1059 = arith.addf %mul3A_1040, %add3A_1058 : vector<16xf32>
        %sub3A_1060 = arith.subf %add3A_1059, %mul3A_1057 : vector<16xf32>
        %add3A_1061 = arith.constant 9.99999971E-10 : f32
        %add3A_1062 = vector.broadcast %add3A_1061 : f32 to vector<16xf32>
        %add3A_1063 = arith.addf %sub3A_1060, %add3A_1062 : vector<16xf32>
        %div3A_1064 = arith.divf %mul3A_1057, %add3A_1063 : vector<16xf32>
        %le3A_1065 = vector.broadcast %select_n3A_563 : f32 to vector<16xf32>
        %le3A_1066 = arith.cmpf ole, %div3A_1064, %le3A_1065 : vector<16xf32>
        %jit3A_1067 = arith.constant -1.000000e+00 : f32
        %broadcast_in_dim3A_1068 = vector.broadcast %jit3A_1067 : f32 to vector<16xf32>
        %select_n3A_1069 = arith.select %le3A_1066, %get3A_1037, %broadcast_in_dim3A_1068 : vector<16xi1>, vector<16xf32>
        %swap3A_1070 = arith.index_cast %add3A_1010 : i32 to index
        %swap3A_1071 = tpu.vector_load %arg8[%swap3A_1070] {strides = array<i32>} : memref<1296xf32, #tpu.memory_space<vmem>>, vector<16xf32>,
        %swap3A_1072 = vector.shape_cast %swap3A_1071 : vector<16xf32> to vector<16xf32>
        %swap3A_1073 = vector.shape_cast %select_n3A_1069 : vector<16xf32> to vector<16xf32>
        tpu.vector_store %arg8[%swap3A_1070], %swap3A_1073 {strides = array<i32>} : memref<1296xf32, #tpu.memory_space<vmem>>, vector<16xf32>,
        %gt3A_1074 = arith.cmpf ogt, %select_n3A_1069, %select_n3A_1002 : vector<16xf32>
        %select_n3A_1075 = arith.select %gt3A_1074, %select_n3A_1069, %select_n3A_1002 : vector<16xi1>, vector<16xf32>
        %add3A_1076 = arith.addi %mul3A_0, %add3A_1010 : i32
        %add3A_1077 = vector.broadcast %add3A_1076 : i32 to vector<16xi32>
        %add3A_1078 = arith.addi %add3A_1077, %iota3A : vector<16xi32>
        %select_n3A_1079 = arith.select %gt3A_1074, %add3A_1078, %select_n3A_1006 : vector<16xi1>, vector<16xi32>
        %mul3A_1080 = arith.constant 128 : i32
        %mul3A_1081 = arith.muli %scan3A_570, %mul3A_1080 : i32
        %add3A_1082 = arith.constant 112 : i32
        %add3A_1083 = arith.addi %mul3A_1081, %add3A_1082 : i32
        %add3A_1084 = arith.constant 0 : i32
        %add3A_1085 = arith.addi %add3A_1084, %add3A_1083 : i32
        %multiple_of3A_1086 = tpu.assume_multiple %add3A_1085, 16 : i32
        %get3A_1087 = arith.index_cast %multiple_of3A_1086 : i32 to index
        %get3A_1088 = tpu.vector_load %arg7[%get3A_1087] {strides = array<i32>} : memref<5136xf32, #tpu.memory_space<vmem>>, vector<16xf32>,
        %get3A_1089 = vector.shape_cast %get3A_1088 : vector<16xf32> to vector<16xf32>
        %add3A_1090 = arith.constant 1280 : i32
        %add3A_1091 = arith.addi %add3A_1090, %add3A_1083 : i32
        %multiple_of3A_1092 = tpu.assume_multiple %add3A_1091, 16 : i32
        %get3A_1093 = arith.index_cast %multiple_of3A_1092 : i32 to index
        %get3A_1094 = tpu.vector_load %arg7[%get3A_1093] {strides = array<i32>} : memref<5136xf32, #tpu.memory_space<vmem>>, vector<16xf32>,
        %get3A_1095 = vector.shape_cast %get3A_1094 : vector<16xf32> to vector<16xf32>
        %add3A_1096 = arith.constant 2560 : i32
        %add3A_1097 = arith.addi %add3A_1096, %add3A_1083 : i32
        %multiple_of3A_1098 = tpu.assume_multiple %add3A_1097, 16 : i32
        %get3A_1099 = arith.index_cast %multiple_of3A_1098 : i32 to index
        %get3A_1100 = tpu.vector_load %arg7[%get3A_1099] {strides = array<i32>} : memref<5136xf32, #tpu.memory_space<vmem>>, vector<16xf32>,
        %get3A_1101 = vector.shape_cast %get3A_1100 : vector<16xf32> to vector<16xf32>
        %add3A_1102 = arith.constant 3840 : i32
        %add3A_1103 = arith.addi %add3A_1102, %add3A_1083 : i32
        %multiple_of3A_1104 = tpu.assume_multiple %add3A_1103, 16 : i32
        %get3A_1105 = arith.index_cast %multiple_of3A_1104 : i32 to index
        %get3A_1106 = tpu.vector_load %arg7[%get3A_1105] {strides = array<i32>} : memref<5136xf32, #tpu.memory_space<vmem>>, vector<16xf32>,
        %get3A_1107 = vector.shape_cast %get3A_1106 : vector<16xf32> to vector<16xf32>
        %get3A_1108 = arith.index_cast %add3A_1083 : i32 to index
        %get3A_1109 = tpu.vector_load %arg8[%get3A_1108] {strides = array<i32>} : memref<1296xf32, #tpu.memory_space<vmem>>, vector<16xf32>,
        %get3A_1110 = vector.shape_cast %get3A_1109 : vector<16xf32> to vector<16xf32>
        %sub3A_1111 = arith.subf %get3A_1101, %get3A_1089 : vector<16xf32>
        %sub3A_1112 = arith.subf %get3A_1107, %get3A_1095 : vector<16xf32>
        %mul3A_1113 = arith.mulf %sub3A_1111, %sub3A_1112 : vector<16xf32>
        %max3A_1114 = vector.broadcast %squeeze3A_546 : f32 to vector<16xf32>
        %max3A_1115 = arith.maximumf %get3A_1089, %max3A_1114 : vector<16xf32>
        %max3A_1116 = vector.broadcast %squeeze3A_548 : f32 to vector<16xf32>
        %max3A_1117 = arith.maximumf %get3A_1095, %max3A_1116 : vector<16xf32>
        %min3A_1118 = vector.broadcast %squeeze3A_550 : f32 to vector<16xf32>
        %min3A_1119 = arith.minimumf %get3A_1101, %min3A_1118 : vector<16xf32>
        %min3A_1120 = vector.broadcast %squeeze3A_552 : f32 to vector<16xf32>
        %min3A_1121 = arith.minimumf %get3A_1107, %min3A_1120 : vector<16xf32>
        %sub3A_1122 = arith.subf %min3A_1119, %max3A_1115 : vector<16xf32>
        %max3A_1123 = arith.constant 0.000000e+00 : f32
        %max3A_1124 = vector.broadcast %max3A_1123 : f32 to vector<16xf32>
        %max3A_1125 = arith.maximumf %sub3A_1122, %max3A_1124 : vector<16xf32>
        %sub3A_1126 = arith.subf %min3A_1121, %max3A_1117 : vector<16xf32>
        %max3A_1127 = arith.constant 0.000000e+00 : f32
        %max3A_1128 = vector.broadcast %max3A_1127 : f32 to vector<16xf32>
        %max3A_1129 = arith.maximumf %sub3A_1126, %max3A_1128 : vector<16xf32>
        %mul3A_1130 = arith.mulf %max3A_1125, %max3A_1129 : vector<16xf32>
        %add3A_1131 = vector.broadcast %mul3A_560 : f32 to vector<16xf32>
        %add3A_1132 = arith.addf %mul3A_1113, %add3A_1131 : vector<16xf32>
        %sub3A_1133 = arith.subf %add3A_1132, %mul3A_1130 : vector<16xf32>
        %add3A_1134 = arith.constant 9.99999971E-10 : f32
        %add3A_1135 = vector.broadcast %add3A_1134 : f32 to vector<16xf32>
        %add3A_1136 = arith.addf %sub3A_1133, %add3A_1135 : vector<16xf32>
        %div3A_1137 = arith.divf %mul3A_1130, %add3A_1136 : vector<16xf32>
        %le3A_1138 = vector.broadcast %select_n3A_563 : f32 to vector<16xf32>
        %le3A_1139 = arith.cmpf ole, %div3A_1137, %le3A_1138 : vector<16xf32>
        %jit3A_1140 = arith.constant -1.000000e+00 : f32
        %broadcast_in_dim3A_1141 = vector.broadcast %jit3A_1140 : f32 to vector<16xf32>
        %select_n3A_1142 = arith.select %le3A_1139, %get3A_1110, %broadcast_in_dim3A_1141 : vector<16xi1>, vector<16xf32>
        %swap3A_1143 = arith.index_cast %add3A_1083 : i32 to index
        %swap3A_1144 = tpu.vector_load %arg8[%swap3A_1143] {strides = array<i32>} : memref<1296xf32, #tpu.memory_space<vmem>>, vector<16xf32>,
        %swap3A_1145 = vector.shape_cast %swap3A_1144 : vector<16xf32> to vector<16xf32>
        %swap3A_1146 = vector.shape_cast %select_n3A_1142 : vector<16xf32> to vector<16xf32>
        tpu.vector_store %arg8[%swap3A_1143], %swap3A_1146 {strides = array<i32>} : memref<1296xf32, #tpu.memory_space<vmem>>, vector<16xf32>,
        %gt3A_1147 = arith.cmpf ogt, %select_n3A_1142, %select_n3A_1075 : vector<16xf32>
        %select_n3A_1148 = arith.select %gt3A_1147, %select_n3A_1142, %select_n3A_1075 : vector<16xi1>, vector<16xf32>
        %add3A_1149 = arith.addi %mul3A_0, %add3A_1083 : i32
        %add3A_1150 = vector.broadcast %add3A_1149 : i32 to vector<16xi32>
        %add3A_1151 = arith.addi %add3A_1150, %iota3A : vector<16xi32>
        %select_n3A_1152 = arith.select %gt3A_1147, %add3A_1151, %select_n3A_1079 : vector<16xi1>, vector<16xi32>
        scf.yield %select_n3A_1148, %select_n3A_1152 : vector<16xf32>, vector<16xi32>
      }
      %scan3A_569 = arith.constant 10 : i32
      scf.yield %scan3A_568#0, %scan3A_568#1 : vector<16xf32>, vector<16xi32>
    }
    %scan3A_22 = arith.constant 100 : i32
    %eq3A = arith.constant 0 : i32
    %eq3A_23 = arith.cmpi eq, %arg1, %eq3A : i32
    %convert_element_type3A = arith.extui %eq3A_23 : i1 to i32
    %cond3A = arith.constant 0 : i32
    %cond3A_24 = arith.cmpi ne, %convert_element_type3A, %cond3A : i32
    scf.if %cond3A_24 {
      "tpu.region"() ({
        %run_scoped3A = tpu.sem_alloc : memref<!tpu.dma_semaphore, #tpu.memory_space<semaphore_mem>>
        tpu.enqueue_dma source(%arg12 : memref<1792xf32, #tpu.memory_space<vmem>>) target(%arg4 : memref<1792xf32, #tpu.memory_space<hbm>>) target_semaphore(%run_scoped3A : memref<!tpu.dma_semaphore, #tpu.memory_space<semaphore_mem>>)
        tpu.wait_dma2 semaphore(%run_scoped3A : memref<!tpu.dma_semaphore, #tpu.memory_space<semaphore_mem>>) src(%arg12 : memref<1792xf32, #tpu.memory_space<vmem>>) dst(%arg4 : memref<1792xf32, #tpu.memory_space<hbm>>)
        tpu.yield
      }) : () -> ()
      "tpu.region"() ({
        %run_scoped3A = tpu.sem_alloc : memref<!tpu.dma_semaphore, #tpu.memory_space<semaphore_mem>>
        tpu.enqueue_dma source(%arg13 : memref<1792xi32, #tpu.memory_space<vmem>>) target(%arg5 : memref<1792xi32, #tpu.memory_space<hbm>>) target_semaphore(%run_scoped3A : memref<!tpu.dma_semaphore, #tpu.memory_space<semaphore_mem>>)
        tpu.wait_dma2 semaphore(%run_scoped3A : memref<!tpu.dma_semaphore, #tpu.memory_space<semaphore_mem>>) src(%arg13 : memref<1792xi32, #tpu.memory_space<vmem>>) dst(%arg5 : memref<1792xi32, #tpu.memory_space<hbm>>)
        tpu.yield
      }) : () -> ()
    } else {
    }
    return
  }
}

</mosaic_0001>

<sc_bundles>
// kernel: kernel.3.cloned.1.call-start
scs
__scs_entry_jumppad:
0x0: {  	(pc) =	sbr.rel $0x88, $3  }
0x1: {  	(tag) =	ssettag $0x0;
	lr =	simm.s32 $0x1  }
0x2: {  	[smem:$0x3F9F] =	sst lr;
	_ =	strace $0xD0000000  }
0x3: {  	_ = 	snop  }
0x4: {  	_ = 	snop  }
0x5: {  	_ = 	snop  }
0x6: {  	_ = 	snop  }
0x7: {  	_ = 	snop  }
__scs_overlays_trampoline_lowered:
0x8: {  	[smem:$0x3FAE] =	sst s0  }
0x9: {  	[smem:$0x3FAF] =	sst s1  }
0xa: {  	[smem:$0x3FB0] =	sst s2  }
0xb: {  	[smem:$0x3FB1] =	sst s3  }
0xc: {  	[smem:$0x3FB2] =	sst s4  }
0xd: {  	[smem:$0x3FB3] =	sst s5  }
0xe: {  	[smem:$0x3FB4] =	sst s6  }
0xf: {  	[smem:$0x3FB5] =	sst s7  }
0x10: {  	[smem:$0x3FB6] =	sst s8  }
0x11: {  	[smem:$0x3FB7] =	sst s9;
	s0 =	simm.s32 @!p0 $0x0  }
0x12: {  	s1 =	sld [smem:$0x3F9D];
	s0 =	simm.s32 @p0 $0x1  }
0x13: {  	[smem:$0x3FB8] =	sst s0;
	s0 =	simm.s32 @!p1 $0x0  }
0x14: {  	s2 =	sld [smem:$0x3F9C];
	s0 =	simm.s32 @p1 $0x1  }
0x15: {  	[smem:$0x3FB9] =	sst s0;
	s0 =	simm.s32 @!p2 $0x0  }
0x16: {  	s3 =	sld [smem:$0x3FDB];
	s0 =	simm.s32 @p2 $0x1  }
0x17: {  	s4 =	simm.s32 $0x1BF5;
	[smem:$0x3FBB] =	sst s0  }
0x18: {  	s0 =	sld [smem:$0x3F9E];
	_ =	swait.ge [sflag:s4], $0x0  }
0x19: {  	s7 =	sld [smem:$0x3F9F]  }
0x1a: {  	s8 =	sadd.s32 $0xFFFFE003, lr  }
0x1b: {  	s9 =	sadd.s32 $0xFFFFFEF7, lr;
	s5 =	simm.s32 $0xFFFFFFFF;
	p2 =	slt.u32 s8, $0xFFFFF086  }
0x1c: {  	p1 =	slt.u32 s9, $0xF7A;
	s5 =	simm.s32 @!p2 $0x0  }
0x1d: {  	s5 =	simm.s32 @p1 $0x1;
	p0 =	seq.s32 s7, s2  }
0x1e: {  	s7 =	smul.u32 @!p0 $0xF7A, s2;
	p2 =	seq.s32 @!p0 s5, $0x0  }
0x1f: {  	s9 =	smul.u32 $0xF7A, s1;
	s8 =	simm.s32 @!p0 $0x1BF5;
	p2 =	por !p2, p0  }
0x20: {  	[sflag:s8] =	ssyncset.s32 @!p0 $0xFFFFF086;
	s6 =	sadd.s32 @!p0 s3, s7;
	s7 =	simm.s32 @!p0 $0x108  }
0x21: {  	s3 =	sadd.s32 s3, s9;
	s6 =	sadd.s32 @!p0 $0x88, s6;
	s7 =	simm.s32 @p2 $0x1082  }
0x22: {  	[simem:s7], [sflag:s8] =	dma.local @!p0 [hbm:s6], $0xF7A  }
0x23: {  	s9 =	sor.u32 $0xD0000000, s2;
	s6 =	simm.s32 $0x108;
	_ =	swait.ge @!p0 [sflag:s8], $0x0  }
0x24: {  	s3 =	sadd.s32 $0x88, s3;
	s6 =	simm.s32 @!p1 $0x1082;
	[sflag:s4] =	ssyncset.s32 $0xFFFFF086  }
0x25: {  	[simem:s6], [sflag:s4] =	dma.local [hbm:s3], $0xF7A  }
0x26: {  	[smem:$0x3F9F] =	sst s1;
	(tag) =	ssettag s2;
	_ =	strace s9  }
0x27: {  	s1 =	sld [smem:$0x3FAF]  }
0x28: {  	s2 =	sld [smem:$0x3FB0]  }
0x29: {  	s4 =	sld [smem:$0x3FB2]  }
0x2a: {  	p0 =	seq.s32 s5, $0x0;
	s5 =	sld [smem:$0x3FB3]  }
0x2b: {  	s6 =	sld [smem:$0x3FB4]  }
0x2c: {  	s7 =	sld [smem:$0x3FB5]  }
0x2d: {  	s3 =	simm.s32 $0x108;
	s8 =	sld [smem:$0x3FB6]  }
0x2e: {  	s3 =	simm.s32 @!p0 $0x1082;
	s9 =	sld [smem:$0x3FB7]  }
0x2f: {  	lr =	sadd.s32 s0, s3;
	s0 =	sld [smem:$0x3FAE]  }
0x30: {  	s3 =	sld [smem:$0x3FB1]  }
0x31: {  	[smem:$0x3FBA] =	sst s10  }
0x32: {  	s10 =	sld [smem:$0x3FB8];
	_ =	sdelay $0x3  }
0x33: {  	p0 =	seq.s32 s10, $0x1;
	s10 =	sld [smem:$0x3FBA];
	_ =	sdelay $0x3  }
0x34: {  	[smem:$0x3FBA] =	sst s10  }
0x35: {  	s10 =	sld [smem:$0x3FB9];
	_ =	sdelay $0x3  }
0x36: {  	p1 =	seq.s32 s10, $0x1;
	s10 =	sld [smem:$0x3FBA];
	_ =	sdelay $0x3  }
0x37: {  	[smem:$0x3FBA] =	sst s10  }
0x38: {  	s10 =	sld [smem:$0x3FBB]  }
0x39: {  	_ = 	snop;
	(pc) =	sbr.ind lr, $3  }
0x3a: {  	_ = 	snop  }
0x3b: {  	_ = 	snop  }
0x3c: {  	p2 =	seq.s32 s10, $0x1;
	s10 =	sld [smem:$0x3FBA]  }
0x3d: {  	_ =	shalt  }
0x3e: {  	_ =	shalt  }
0x3f: {  	_ =	shalt  }
0x40: {  	_ =	shalt  }
0x41: {  	_ =	shalt  }
0x42: {  	_ =	shalt  }
0x43: {  	_ =	shalt  }
0x44: {  	_ =	shalt  }
0x45: {  	_ =	shalt  }
0x46: {  	_ =	shalt  }
0x47: {  	_ =	shalt  }
0x48: {  	_ =	shalt  }
0x49: {  	_ =	shalt  }
0x4a: {  	_ =	shalt  }
0x4b: {  	_ =	shalt  }
0x4c: {  	_ =	shalt  }
0x4d: {  	_ =	shalt  }
0x4e: {  	_ =	shalt  }
0x4f: {  	_ =	shalt  }
0x50: {  	_ =	shalt  }
0x51: {  	_ =	shalt  }
0x52: {  	_ =	shalt  }
0x53: {  	_ =	shalt  }
0x54: {  	_ =	shalt  }
0x55: {  	_ =	shalt  }
0x56: {  	_ =	shalt  }
0x57: {  	_ =	shalt  }
0x58: {  	_ =	shalt  }
0x59: {  	_ =	shalt  }
0x5a: {  	_ =	shalt  }
0x5b: {  	_ =	shalt  }
0x5c: {  	_ =	shalt  }
0x5d: {  	_ =	shalt  }
0x5e: {  	_ =	shalt  }
0x5f: {  	_ =	shalt  }
0x60: {  	_ =	shalt  }
0x61: {  	_ =	shalt  }
0x62: {  	_ =	shalt  }
0x63: {  	_ =	shalt  }
0x64: {  	_ =	shalt  }
0x65: {  	_ =	shalt  }
0x66: {  	_ =	shalt  }
0x67: {  	_ =	shalt  }
0x68: {  	_ =	shalt  }
0x69: {  	_ =	shalt  }
0x6a: {  	_ =	shalt  }
0x6b: {  	_ =	shalt  }
0x6c: {  	_ =	shalt  }
0x6d: {  	_ =	shalt  }
0x6e: {  	_ =	shalt  }
0x6f: {  	_ =	shalt  }
0x70: {  	_ =	shalt  }
0x71: {  	_ =	shalt  }
0x72: {  	_ =	shalt  }
0x73: {  	_ =	shalt  }
0x74: {  	_ =	shalt  }
0x75: {  	_ =	shalt  }
0x76: {  	_ =	shalt  }
0x77: {  	_ =	shalt  }
0x78: {  	_ =	shalt  }
0x79: {  	_ =	shalt  }
0x7a: {  	_ =	shalt  }
0x7b: {  	_ =	shalt  }
0x7c: {  	_ =	shalt  }
0x7d: {  	_ =	shalt  }
0x7e: {  	_ =	shalt  }
0x7f: {  	_ =	shalt  }
0x80: {  	_ =	shalt  }
0x81: {  	_ =	shalt  }
0x82: {  	_ =	shalt  }
0x83: {  	_ =	shalt  }
0x84: {  	_ =	shalt  }
0x85: {  	_ =	shalt  }
0x86: {  	_ =	shalt  }
0x87: {  	_ =	shalt  }
.Lfunc_end0:
.L_simem_size_0:
called_computation_lowered:
.L_overlay_start_0:
0x88: {  	s0 =	sld [smem:$0x3FD9]  }
0x89: {  	s1 =	sld [smem:$0x3FFE];
	_ =	sdelay $0x3  }
0x8a: {  	s0 =	sadd.s32 s1, s0  }
0x8b: {  	[smem:$0x3FC6] =	sst s0  }
0x8c: {  	_ = 	snop  }
0x8d: {  	(tm) =	ssettm $0x1  }
0x8e: {  	s15 =	sld [smem:$0x3FFB];
	_ =	sdelay $0x3  }
0x8f: {  	_ =	strace s15  }
0x90: {  	s0 =	sld [smem:$0x3FFC];
	_ =	sdelay $0x3  }
0x91: {  	_ =	strace s0  }
0x92: {  	s0 =	sld [smem:$0x3FFD];
	_ =	sdelay $0x3  }
0x93: {  	_ =	strace s0  }
0x94: {  	_ =	strace $0x8FFFFFFF  }
0x95: {  	s16 =	sld [smem:$0x3FDB];
	_ =	sdelay $0x1  }
0x96: {  	s17 =	simm.s32 $_scs_section_size  }
0x97: {  	s2 =	simm.s32 $_size__tile_overlayer_lowered;
	s3 =	simm.s32 $_tile_overlayer_lowered  }
0x98: {  	s20 =	simm.s32 $0x1BFF;
	s19 =	sshll.u32 s3, $0x1;
	s0 =	sadd.s32 s17, s16  }
0x99: {  	s4 =	simm.s32 $0x0;
	s18 =	sshll.u32 s2, $0x1;
	s2 =	sadd.s32 s19, s0  }
0x9a: {  	[timem:s4], [sflag:s20] =	dma.local [hbm:s2], s18  }
0x9b: {  	_ =	swait.ge [sflag:s20], s18  }
0x9c: {  	s1 =	ssub.s32 $0x0, s18;
	[sflag:s20] =	ssyncset.done $0x0  }
0x9d: {  	[sflag:s20] =	ssyncadd.s32 s1;
	_ =	sdelay $0x1  }
0x9e: {  	s21 =	simm.s32 $0x1B8B  }
0x9f: {  	_ =	swait.ge [sflag:s21], $0x1  }
0xa0: {  	[sflag:s21] =	ssyncset.done $0x0  }
0xa1: {  	s23 =	simm.s32 $0x1B8E;
	s22 =	sld [smem:$0x3FFE];
	[sflag:s21] =	ssyncadd.s32 $0xFFFFFFFF  }
0xa2: {  	s24 =	simm.s32 $execute0_lowered;
	[smem:$0x3FD2] =	sst s23  }
0xa3: {  	s2 =	sshll.u32 s24, $0x1;
	_ =	strace $0x80000046;
	[dreg:$0x1] =	wrdreg $0xFFFFFFFF  }
0xa4: {  	s25 =	simm.s32 $_size_execute0_lowered;
	s0 =	sadd.s32 s0, s2;
	[dreg:$0x0] =	wrdreg $0x0  }
0xa5: {  	s2 =	sshll.u32 s25, $0x1;
	[dreg:$0x2] =	wrdreg s0  }
0xa6: {  	[dreg:$0x3] =	wrdreg s2  }
0xa7: {  	[dreg:$0x4] =	wrdreg $0xC0  }
0xa8: {  	_ =	task [dreg:s4], $0x5FFFF  }
0xa9: {  	[dreg:$0x1] =	wrdreg $0xFFFFFFFF  }
0xaa: {  	[dreg:$0x0] =	wrdreg $0x60  }
0xab: {  	[dreg:$0x2] =	wrdreg s22  }
0xac: {  	[dreg:$0x3] =	wrdreg $0x1BF000  }
0xad: {  	[dreg:$0x4] =	wrdreg $0x9  }
0xae: {  	_ =	task.clear_ibuf [dreg:s4], $0x5FFFF;
	_ =	strace $0x90000046  }
0xaf: {  	s26 =	simm.s32 $0x9;
	_ =	strace $0x80000048  }
0xb0: {  	_ =	swait.ge [sflag:s26], $0x1  }
0xb1: {  	[sflag:s26] =	ssyncadd.s32 $0xFFFFFFFF  }
0xb2: {  	_ =	strace $0x90000048  }
0xb3: {  	_ =	sfence  }
0xb4: {  	s28 =	sld [smem:$0x0];
	_ =	sdelay $0x1  }
0xb5: {  	s29 =	srdreg.scid  }
0xb6: {  	s30 =	sshll.u32 s29, $0xD;
	s31 =	sshrl.u32 s29, $0x2  }
0xb7: {  	s1 =	sand.u32 $0x1, s29;
	s2 =	sand.u32 $0x4000, s30;
	s0 =	sadd.s32 s31, s28  }
0xb8: {  	s1 =	sor.u32 s2, s1;
	s0 =	sshll.u32 s0, $0x11  }
0xb9: {  	s0 =	sor.u32 s0, s1  }
0xba: {  	s0 =	sadd.s32 $0x8F2B, s0  }
0xbb: {  	[sflag:s0] =	ssyncadd.remote.s32 $0x1  }
0xbc: {  	_ =	sfence.sel $0xFFFF  }
0xbd: {  	[dreg:$0x0] =	wrdreg $0xFFFFFFFF;
	(pc) =	sbr.abs _section_cstart, $3  }
0xbe: {  	[dreg:$0x1] =	wrdreg $0xFFFFFFFF  }
0xbf: {  	_ =	task.clear_ibuf [dreg:s4], $0x2FFFF;
	_ =	strace $0x9FFFFFFF  }
0xc0: {  	(tm) =	ssettm $0x7FFFFFFF  }
0xc1: {  	_ =	shalt  }
tec
execute0_lowered:
.L_overlay_start_1:
0x0: {  	(tag) =	ssettag $0x1  }
0x1: {  	s2 =	rddreg [dreg:$0x0]  }
0x2: {  	s6 =	stileid.u32;
	s1 =	rddreg [dreg:$0x1]  }
0x3: {  	s0 =	rddreg [dreg:$0x2];
	s3 =	smul.u32 $0x280, s6  }
0x4: {  	s5 =	simm.s32 $0x0;
	s4 =	simm.s32 $0x19000;
	s7 =	simm.s32 $0x1  }
0x5: {  	s8 =	simm.s32 $0x1E00;
	[smem:$0x7FF] =	sst s5;
	s3 =	sadd.s32 s3, s2  }
0x6: {  	s9 =	simm.s32 $0x1900;
	_ =	strace $0x80000047;
	s3 =	sadd.s32 $0x32000, s3  }
0x7: {  	[tilespmem:s4], [sflag:$0x1] =	stream.linear.gather [hbm4b:s3+s5], $0x1400, $0x38;
	[tilespmem:$0x1BF20] =	vst v63  }
0x8: {  	s10 =	simm.s32 $0x1400;
	s31 =	smul.u32 $0x3200, s6;
	_ =	swait.ge [sflag:s7], $0x1400  }
0x9: {  	s11 =	simm.s32 $0xF00;
	s12 =	simm.s32 $0xA00;
	[sflag:s7] =	ssyncset.done $0x0  }
0xa: {  	s13 =	simm.s32 $0x500;
	s3 =	sadd.s32 s2, s31;
	[sflag:s7] =	ssyncadd.s32 $0xFFFFEC00  }
0xb: {  	[tilespmem:s5], [sflag:$0x1] =	stream.linear.gather [hbm4b:s3+s5], $0x19000, $0x38;
	[tilespmem:$0x1BF20] =	vst v63  }
0xc: {  	s14 =	simm.s32 $0x0;
	s15 =	simm.s32 $0x0;
	_ =	swait.ge [sflag:s7], $0x19000  }
0xd: {  	v1 =	vimm.f32 $-2.000000000e+00;
	s4 =	smul.u32 $0x500, s6;
	s3 =	sadd.s32 $0x34800, s2;
	[sflag:s7] =	ssyncset.done $0x0  }
0xe: {  	v0 =	vimm.s32 $0x0;
	v3 =	vlaneseq.u32;
	v2 =	vimm.s32 $0x0;
	s2 =	sadd.s32 $0x34A00, s2;
	[sflag:s7] =	ssyncadd.s32 $0xFFFE7000;
	s7 =	simm.s32 $0x2300  }
.LBB2_1:
0xf: {  	s16 =	sand.u32 $0x7, s14  }
0x10: {  	s16 =	sshll.u32 s16, $0x6  }
0x11: {  	s16 =	sshrl.u32 s16, $0x2  }
0x12: {  	v4 =	vmov s16;
	_ =	sdelay $0x3  }
0x13: {  	s17 =	sand.u32 $0x3FFFFF80, s5  }
0x14: {  	v5 =	vld.idx.msk [tilespmem:v4+s17+$0x0 ss:$0x1], $0xffff  }
0x15: {  	s23 =	sand.u32 $0x3FFFFF80, s13  }
0x16: {  	v6 =	vld.idx.msk [tilespmem:v4+s23+$0x0 ss:$0x1], $0xffff  }
0x17: {  	s21 =	sand.u32 $0x3FFFFF80, s12  }
0x18: {  	v7 =	vimm.f32 $-1.000000000e+00;
	v8 =	vld.idx.msk [tilespmem:v4+s21+$0x0 ss:$0x1], $0xffff  }
0x19: {  	s18 =	sand.u32 $0x3FFFFF80, s11;
	vm0 =	vgt.f32 v5, v7  }
0x1a: {  	v9 =	vld.idx.msk [tilespmem:v4+s18+$0x0 ss:$0x1], $0xffff;
	v5 =	vsel vm0, v5, v7  }
0x1b: {  	s19 =	sand.u32 $0x3FFFFF80, s10;
	vm1 =	vgt.f32 v6, v5  }
0x1c: {  	v10 =	vld.idx.msk [tilespmem:v4+s19+$0x0 ss:$0x1], $0xffff;
	v6 =	vsel vm1, v6, v5  }
0x1d: {  	s20 =	sand.u32 $0x3FFFFF80, s9;
	s26 =	simm.s32 $0x0;
	vm2 =	vgt.f32 v8, v6  }
0x1e: {  	s30 =	simm.s32 $0x1;
	v7 =	vsel vm0, s26, v0;
	v5 =	vld.idx.msk [tilespmem:v4+s20+$0x0 ss:$0x1], $0xffff;
	v6 =	vsel vm2, v8, v6  }
0x1f: {  	s24 =	sand.u32 $0x3FFFFF80, s8;
	s25 =	simm.s32 $0x2;
	v7 =	vsel vm1, s30, v7;
	vm0 =	vgt.f32 v9, v6  }
0x20: {  	v8 =	vsel vm2, s25, v7;
	v7 =	vld.idx.msk [tilespmem:v4+s24+$0x0 ss:$0x1], $0xffff;
	v6 =	vsel vm0, v9, v6  }
0x21: {  	s22 =	sand.u32 $0x3FFFFF80, s7;
	s31 =	simm.s32 $0x3;
	s28 =	simm.s32 $0x4;
	vm1 =	vgt.f32 v10, v6  }
0x22: {  	s29 =	simm.s32 $0x5;
	s16 =	sshll.u32 s15, $0x4;
	s26 =	sadd.s32 $0x2800, s17;
	v9 =	vsel vm0, s31, v8;
	v8 =	vld.idx.msk [tilespmem:v4+s22+$0x0 ss:$0x1], $0xffff;
	v10 =	vsel vm1, v10, v6  }
0x23: {  	s17 =	simm.s32 $0xF;
	s25 =	simm.s32 $0x7;
	v9 =	vsel vm1, s28, v9;
	v6 =	vld.idx.msk [tilespmem:v4+s26+$0x0 ss:$0x1], $0xffff;
	s28 =	simm.s32 $0x17;
	vm0 =	vgt.f32 v5, v10  }
.LBB2_2:
0x24: {  	p0 =	sne.s32 s28, $0x4F;
	v5 =	vsel vm0, v5, v10;
	v9 =	vsel vm0, s29, v9;
	s23 =	sadd.s32 $0x2800, s23  }
0x25: {  	s29 =	sadd.s32 $0xFFFFFFFF, s25;
	v10 =	vld.idx.msk [tilespmem:v4+s23+$0x0 ss:$0x1], $0xffff;
	vm0 =	vgt.f32 v7, v5  }
0x26: {  	s21 =	sadd.s32 $0x2800, s21;
	v5 =	vsel vm0, v7, v5;
	v7 =	vsel vm0, s29, v9  }
0x27: {  	v9 =	vld.idx.msk [tilespmem:v4+s21+$0x0 ss:$0x1], $0xffff;
	vm0 =	vgt.f32 v8, v5  }
0x28: {  	s18 =	sadd.s32 $0x2800, s18;
	v5 =	vsel vm0, v8, v5;
	v7 =	vsel vm0, s25, v7;
	s25 =	smov.u32 s17;
	s17 =	smov.u32 s28  }
0x29: {  	s29 =	sadd.s32 $0xFFFFFFF9, s25;
	vm0 =	vgt.f32 v6, v5;
	v8 =	vld.idx.msk [tilespmem:v4+s18+$0x0 ss:$0x1], $0xffff  }
0x2a: {  	s19 =	sadd.s32 $0x2800, s19;
	v5 =	vsel vm0, v6, v5;
	v6 =	vsel vm0, s29, v7  }
0x2b: {  	s29 =	sadd.s32 $0xFFFFFFFA, s25;
	vm0 =	vgt.f32 v10, v5;
	v11 =	vld.idx.msk [tilespmem:v4+s19+$0x0 ss:$0x1], $0xffff  }
0x2c: {  	s20 =	sadd.s32 $0x2800, s20;
	v7 =	vsel vm0, v10, v5;
	v6 =	vsel vm0, s29, v6  }
0x2d: {  	s29 =	sadd.s32 $0xFFFFFFFB, s25;
	vm0 =	vgt.f32 v9, v7;
	v5 =	vld.idx.msk [tilespmem:v4+s20+$0x0 ss:$0x1], $0xffff  }
0x2e: {  	s24 =	sadd.s32 $0x2800, s24;
	v9 =	vsel vm0, v9, v7;
	v6 =	vsel vm0, s29, v6  }
.Ltmp0:
0x2f: {  	s29 =	sadd.s32 $0xFFFFFFFC, s25;
	vm0 =	vgt.f32 v8, v9;
	v7 =	vld.idx.msk [tilespmem:v4+s24+$0x0 ss:$0x1], $0xffff;
	(pc) =	sbr.rel @p0 .LBB2_2-.Ltmp0, $4  }
0x30: {  	s22 =	sadd.s32 $0x2800, s22;
	v9 =	vsel vm0, v8, v9;
	v6 =	vsel vm0, s29, v6  }
0x31: {  	s29 =	sadd.s32 $0xFFFFFFFD, s25;
	vm0 =	vgt.f32 v11, v9;
	v8 =	vld.idx.msk [tilespmem:v4+s22+$0x0 ss:$0x1], $0xffff  }
0x32: {  	s26 =	sadd.s32 $0x2800, s26;
	v10 =	vsel vm0, v11, v9;
	v9 =	vsel vm0, s29, v6  }
0x33: {  	s28 =	sadd.s32 $0x8, s28;
	s29 =	sadd.s32 $0xFFFFFFFE, s25;
	v6 =	vld.idx.msk [tilespmem:v4+s26+$0x0 ss:$0x1], $0xffff;
	vm0 =	vgt.f32 v5, v10  }
0x34: {  	_ =	sdelay $0x1  }
0x35: {  	v5 =	vsel vm0, v5, v10  }
0x36: {  	s23 =	sadd.s32 $0x2800, s23;
	vm1 =	vgt.f32 v7, v5  }
0x37: {  	v54 =	vld.idx.msk [tilespmem:v4+s23+$0x0 ss:$0x1], $0xffff;
	v5 =	vsel vm1, v7, v5  }
0x38: {  	s21 =	sadd.s32 $0x2800, s21;
	vm2 =	vgt.f32 v8, v5  }
0x39: {  	v55 =	vld.idx.msk [tilespmem:v4+s21+$0x0 ss:$0x1], $0xffff;
	v5 =	vsel vm2, v8, v5  }
0x3a: {  	s18 =	sadd.s32 $0x2800, s18;
	vm3 =	vgt.f32 v6, v5  }
0x3b: {  	v56 =	vld.idx.msk [tilespmem:v4+s18+$0x0 ss:$0x1], $0xffff;
	v5 =	vsel vm3, v6, v5  }
0x3c: {  	s31 =	sadd.s32 $0x2800, s19;
	vm4 =	vgt.f32 v54, v5  }
0x3d: {  	v57 =	vld.idx.msk [tilespmem:v4+s31+$0x0 ss:$0x1], $0xffff;
	v5 =	vsel vm4, v54, v5  }
0x3e: {  	s19 =	sadd.s32 $0x2800, s20;
	vm5 =	vgt.f32 v55, v5  }
0x3f: {  	v58 =	vld.idx.msk [tilespmem:v4+s19+$0x0 ss:$0x1], $0xffff;
	v5 =	vsel vm5, v55, v5  }
0x40: {  	s20 =	sadd.s32 $0x2800, s24;
	vm6 =	vgt.f32 v56, v5  }
0x41: {  	v59 =	vsel vm0, s29, v9;
	s21 =	sadd.s32 $0xFFFFFFFF, s25;
	v60 =	vld.idx.msk [tilespmem:v4+s20+$0x0 ss:$0x1], $0xffff;
	v5 =	vsel vm6, v56, v5  }
0x42: {  	s22 =	sadd.s32 $0x2800, s22;
	v7 =	vsel vm1, s21, v59;
	vm10 =	vgt.f32 v57, v5  }
0x43: {  	s23 =	sadd.s32 $0xFFFFFFF9, s17;
	v4 =	vld.idx.msk [tilespmem:v4+s22+$0x0 ss:$0x1], $0xffff;
	v7 =	vsel vm2, s25, v7;
	v5 =	vsel vm10, v57, v5  }
0x44: {  	s24 =	sadd.s32 $0xFFFFFFFA, s17;
	v61 =	vsel vm3, s23, v7;
	vm11 =	vgt.f32 v58, v5  }
0x45: {  	s25 =	sadd.s32 $0xFFFFFFFB, s17;
	v6 =	vsel vm4, s24, v61;
	v5 =	vsel vm11, v58, v5  }
0x46: {  	s26 =	sadd.s32 $0xFFFFFFFC, s17;
	s15 =	sadd.s32 $0x1, s15;
	v6 =	vsel vm5, s25, v6;
	vm12 =	vgt.f32 v60, v5  }
0x47: {  	s28 =	sadd.s32 $0xFFFFFFFD, s17;
	s29 =	sadd.s32 s4, s16;
	p0 =	sne.s32 s15, $0x50;
	v6 =	vsel vm6, s26, v6;
	v5 =	vsel vm12, v60, v5  }
.Ltmp1:
0x48: {  	s30 =	sadd.s32 $0xFFFFFFFE, s17;
	v62 =	vmov s29;
	v6 =	vsel vm10, s28, v6;
	vm13 =	vgt.f32 v4, v5;
	(pc) =	sbr.rel @p0 .LBB2_1-.Ltmp1, $4  }
0x49: {  	s31 =	sadd.s32 $0xFFFFFFFF, s17;
	vm14 =	vlt.u32 v62, $0x4E20;
	v6 =	vsel vm11, s30, v6;
	v4 =	vsel vm13, v4, v5  }
0x4a: {  	s14 =	sadd.s32 $0x1, s14;
	s7 =	sadd.s32 $0x10, s7;
	s8 =	sadd.s32 $0x10, s8;
	v5 =	vsel vm12, s31, v6;
	v4 =	vnsel vm14, $0xBF800000, v4  }
0x4b: {  	s9 =	sadd.s32 $0x10, s9;
	s10 =	sadd.s32 $0x10, s10;
	s11 =	sadd.s32 $0x10, s11;
	v63 =	vor.u32 s29, v3;
	v5 =	vsel vm13, s17, v5;
	[tilespmem:s16+$0x1A480] =	vst v4;
	vm15 =	vgt.f32 v4, v1  }
0x4c: {  	s12 =	sadd.s32 $0x10, s12;
	s13 =	sadd.s32 $0x10, s13;
	s5 =	sadd.s32 $0x10, s5;
	[tilespmem:s16+$0x1AA00] =	vst v5;
	v1 =	vsel vm15, v4, v1;
	v2 =	vsel vm15, v63, v2  }
0x4d: {  	v0 =	vld [tilespmem:$0x1A480];
	_ =	sdelay $0x4  }
0x4e: {  	(v2sf) =	vpush v0, $0x0;
	_ =	sdelay $0xb  }
0x4f: {  	p0 =	sne.s32 s6, $0x0  }
0x50: {  	s7 =	sshll.u32 s6, $0x6;
	s10 =	simm.s32 @!p0 $0x0  }
0x51: {  	vm0 =	vcmask $0x1310;
	s8 =	simm.s32 $0x1;
	s9 =	simm.s32 $0x1B000;
	s10 =	simm.s32 @p0 $0x1  }
0x52: {  	vm1 =	vcmask $0x3F10;
	vm2 =	vcmask $0x3F0C;
	vm3 =	vcmask $0x3F08;
	s6 =	sshrl.u32 s7, $0x2;
	[smem:$0x7FD] =	sst s10;
	s5 =	spop (v2sf)  }
0x53: {  	vm4 =	vmmov $0x1;
	s7 =	simm.s32 $0x1AF80;
	vm5 =	vcmask @!p0 $0x300;
	v0 =	vlaneseq.u32;
	[smem:$0x0] =	sst s5;
	s5 =	simm.s32 $0x0  }
.LBB2_5:
0x54: {  	(v2sf) =	vpush v1, $0x0  }
0x55: {  	(v2sf) =	vpush v2, $0x0  }
0x56: {  	(v2sf) =	vpush v1, $0x1;
	_ =	sdelay $0x2  }
0x57: {  	(v2sf) =	vpush v2, $0x1;
	_ =	sdelay $0x4  }
0x58: {  	(v2sf) =	vpush v1, $0x2  }
0x59: {  	(v2sf) =	vpush v2, $0x2;
	_ =	sdelay $0x3  }
0x5a: {  	s10 =	spop (v2sf)  }
0x5b: {  	s11 =	spop (v2sf);
	(v2sf) =	vpush v1, $0x3  }
0x5c: {  	s12 =	spop (v2sf);
	(v2sf) =	vpush v2, $0x3;
	_ =	sdelay $0x2  }
0x5d: {  	s13 =	spop (v2sf);
	p0 =	seq.f32 s12, s10  }
0x5e: {  	p1 =	slt.s32 s13, s11  }
0x5f: {  	p2 =	sgt.f32 s12, s10;
	(v2sf) =	vpush v1, $0x4;
	p0 =	por !p0, !p1  }
0x60: {  	(v2sf) =	vpush v2, $0x4;
	p0 =	por !p0, !p0  }
0x61: {  	p0 =	por p2, p0  }
0x62: {  	s10 =	smov.u32 @p0 s12;
	s12 =	spop (v2sf)  }
0x63: {  	s11 =	smov.u32 @p0 s13;
	s13 =	spop (v2sf);
	p1 =	seq.f32 s12, s10  }
0x64: {  	p2 =	slt.s32 s13, s11  }
0x65: {  	(v2sf) =	vpush v1, $0x5;
	p3 =	sgt.f32 s12, s10;
	p0 =	por !p1, !p2  }
0x66: {  	(v2sf) =	vpush v2, $0x5;
	p0 =	por !p0, !p0  }
0x67: {  	p0 =	por p3, p0  }
0x68: {  	s10 =	smov.u32 @p0 s12;
	s12 =	spop (v2sf)  }
0x69: {  	s11 =	smov.u32 @p0 s13;
	s13 =	spop (v2sf);
	p4 =	seq.f32 s12, s10  }
0x6a: {  	p5 =	slt.s32 s13, s11  }
0x6b: {  	(v2sf) =	vpush v1, $0x6;
	p6 =	sgt.f32 s12, s10;
	p0 =	por !p4, !p5  }
0x6c: {  	(v2sf) =	vpush v2, $0x6;
	p0 =	por !p0, !p0  }
0x6d: {  	p0 =	por p6, p0  }
0x6e: {  	s10 =	smov.u32 @p0 s12;
	s12 =	spop (v2sf)  }
0x6f: {  	s11 =	smov.u32 @p0 s13;
	s13 =	spop (v2sf);
	p1 =	seq.f32 s12, s10  }
0x70: {  	p2 =	slt.s32 s13, s11  }
0x71: {  	(v2sf) =	vpush v1, $0x7;
	p3 =	sgt.f32 s12, s10;
	p0 =	por !p1, !p2  }
0x72: {  	(v2sf) =	vpush v2, $0x7;
	p0 =	por !p0, !p0  }
0x73: {  	p0 =	por p3, p0  }
0x74: {  	s10 =	smov.u32 @p0 s12;
	s12 =	spop (v2sf)  }
0x75: {  	s11 =	smov.u32 @p0 s13;
	s13 =	spop (v2sf);
	p4 =	seq.f32 s12, s10  }
0x76: {  	p5 =	slt.s32 s13, s11  }
0x77: {  	(v2sf) =	vpush v1, $0x8;
	p6 =	sgt.f32 s12, s10;
	p0 =	por !p4, !p5  }
0x78: {  	(v2sf) =	vpush v2, $0x8;
	p0 =	por !p0, !p0  }
0x79: {  	p0 =	por p6, p0  }
0x7a: {  	s10 =	smov.u32 @p0 s12;
	s12 =	spop (v2sf)  }
0x7b: {  	s11 =	smov.u32 @p0 s13;
	s13 =	spop (v2sf);
	p1 =	seq.f32 s12, s10  }
0x7c: {  	p2 =	slt.s32 s13, s11  }
0x7d: {  	(v2sf) =	vpush v1, $0x9;
	p3 =	sgt.f32 s12, s10;
	p0 =	por !p1, !p2  }
0x7e: {  	(v2sf) =	vpush v2, $0x9;
	p0 =	por !p0, !p0  }
0x7f: {  	p0 =	por p3, p0  }
0x80: {  	s10 =	smov.u32 @p0 s12;
	s12 =	spop (v2sf)  }
0x81: {  	s11 =	smov.u32 @p0 s13;
	s13 =	spop (v2sf);
	p4 =	seq.f32 s12, s10  }
0x82: {  	p5 =	slt.s32 s13, s11  }
0x83: {  	(v2sf) =	vpush v1, $0xA;
	p6 =	sgt.f32 s12, s10;
	p0 =	por !p4, !p5  }
0x84: {  	(v2sf) =	vpush v2, $0xA;
	p0 =	por !p0, !p0  }
0x85: {  	p0 =	por p6, p0  }
0x86: {  	s10 =	smov.u32 @p0 s12;
	s12 =	spop (v2sf)  }
0x87: {  	s11 =	smov.u32 @p0 s13;
	s13 =	spop (v2sf);
	p1 =	seq.f32 s12, s10  }
0x88: {  	p2 =	slt.s32 s13, s11  }
0x89: {  	(v2sf) =	vpush v1, $0xB;
	p3 =	sgt.f32 s12, s10;
	p0 =	por !p1, !p2  }
0x8a: {  	(v2sf) =	vpush v2, $0xB;
	p0 =	por !p0, !p0  }
0x8b: {  	p0 =	por p3, p0  }
0x8c: {  	s10 =	smov.u32 @p0 s12;
	s12 =	spop (v2sf)  }
0x8d: {  	s11 =	smov.u32 @p0 s13;
	s13 =	spop (v2sf);
	p4 =	seq.f32 s12, s10  }
0x8e: {  	p5 =	slt.s32 s13, s11  }
0x8f: {  	(v2sf) =	vpush v1, $0xC;
	p6 =	sgt.f32 s12, s10;
	p0 =	por !p4, !p5  }
0x90: {  	(v2sf) =	vpush v2, $0xC;
	p0 =	por !p0, !p0  }
0x91: {  	p0 =	por p6, p0  }
0x92: {  	s10 =	smov.u32 @p0 s12;
	s12 =	spop (v2sf)  }
0x93: {  	s11 =	smov.u32 @p0 s13;
	s13 =	spop (v2sf);
	p1 =	seq.f32 s12, s10  }
0x94: {  	p2 =	slt.s32 s13, s11  }
0x95: {  	(v2sf) =	vpush v1, $0xD;
	p3 =	sgt.f32 s12, s10;
	p0 =	por !p1, !p2  }
0x96: {  	(v2sf) =	vpush v2, $0xD;
	p0 =	por !p0, !p0  }
0x97: {  	p0 =	por p3, p0  }
0x98: {  	s10 =	smov.u32 @p0 s12;
	s12 =	spop (v2sf)  }
0x99: {  	s11 =	smov.u32 @p0 s13;
	s13 =	spop (v2sf);
	p4 =	seq.f32 s12, s10  }
0x9a: {  	p5 =	slt.s32 s13, s11  }
0x9b: {  	(v2sf) =	vpush v1, $0xE;
	p6 =	sgt.f32 s12, s10;
	p0 =	por !p4, !p5  }
0x9c: {  	(v2sf) =	vpush v2, $0xE;
	p0 =	por !p0, !p0  }
0x9d: {  	p0 =	por p6, p0  }
0x9e: {  	s10 =	smov.u32 @p0 s12;
	s12 =	spop (v2sf)  }
0x9f: {  	s11 =	smov.u32 @p0 s13;
	s13 =	spop (v2sf);
	p1 =	seq.f32 s12, s10  }
0xa0: {  	p2 =	slt.s32 s13, s11  }
0xa1: {  	(v2sf) =	vpush v1, $0xF;
	p3 =	sgt.f32 s12, s10;
	p0 =	por !p1, !p2  }
0xa2: {  	(v2sf) =	vpush v2, $0xF;
	p0 =	por !p0, !p0  }
0xa3: {  	p0 =	por p3, p0  }
0xa4: {  	s10 =	smov.u32 @p0 s12;
	s12 =	spop (v2sf)  }
0xa5: {  	s11 =	smov.u32 @p0 s13;
	s13 =	spop (v2sf);
	p4 =	seq.f32 s12, s10  }
0xa6: {  	p5 =	slt.s32 s13, s11  }
0xa7: {  	p6 =	sgt.f32 s12, s10;
	p0 =	por !p4, !p5  }
0xa8: {  	p0 =	por !p0, !p0  }
0xa9: {  	p0 =	por p6, p0  }
0xaa: {  	s10 =	smov.u32 @p0 s12;
	s12 =	spop (v2sf)  }
0xab: {  	s11 =	smov.u32 @p0 s13;
	s13 =	spop (v2sf);
	p1 =	seq.f32 s12, s10  }
0xac: {  	p2 =	slt.s32 s13, s11  }
0xad: {  	p3 =	sgt.f32 s12, s10;
	p0 =	por !p1, !p2  }
0xae: {  	p0 =	por !p0, !p0  }
0xaf: {  	p0 =	por p3, p0  }
0xb0: {  	s10 =	smov.u32 @p0 s12;
	s12 =	spop (v2sf)  }
0xb1: {  	s11 =	smov.u32 @p0 s13;
	s13 =	spop (v2sf);
	p4 =	seq.f32 s12, s10  }
0xb2: {  	p5 =	slt.s32 s13, s11  }
0xb3: {  	p6 =	sgt.f32 s12, s10;
	p0 =	por !p4, !p5  }
0xb4: {  	p0 =	por !p0, !p0  }
0xb5: {  	p0 =	por p6, p0  }
0xb6: {  	s11 =	smov.u32 @p0 s13  }
0xb7: {  	s13 =	ssub.s32 s11, s4  }
0xb8: {  	s14 =	sand.u32 $0x7F, s11;
	s13 =	sand.u32 $0xFFFFFF80, s13  }
0xb9: {  	s13 =	sor.u32 s14, s13  }
0xba: {  	v1 =	vld [tilespmem:s13+$0x1AA00];
	_ =	sdelay $0x4  }
0xbb: {  	(v2sf) =	vpush v1, $0x0;
	_ =	sdelay $0xe  }
0xbc: {  	v1 =	vld.msk [tilespmem:s13+$0x1A480 ss:$0x0], $0xffff;
	s30 =	spop (v2sf)  }
0xbd: {  	s10 =	smov.u32 @p0 s12;
	v2 =	vld.msk [tilespmem:s13+$0x19F00 ss:$0x0], $0xffff;
	s31 =	scvt.s32.f32 s30  }
0xbe: {  	vm6 =	veq.s32 v0, $0x6;
	s11 =	scvt.s32.f32 s11;
	v3 =	vmov s10;
	v4 =	vld.msk [tilespmem:s13+$0x19A00 ss:$0x0], $0xffff  }
0xbf: {  	v5 =	vld.msk [tilespmem:s13+$0x19500 ss:$0x0], $0xffff;
	v3 =	vsel vm6, s31, v3;
	vm6 =	veq.s32 v0, $0x7  }
0xc0: {  	v6 =	vld [tilespmem:s13+$0x19000];
	v3 =	vsel vm6, s11, v3  }
0xc1: {  	v1 =	vsel vm0, v1, v3  }
0xc2: {  	v1 =	vsel vm1, v1, v2  }
0xc3: {  	s14 =	sshll.u32 s5, $0x8;
	v1 =	vsel vm2, v1, v4  }
0xc4: {  	s10 =	sand.u32 $0x100, s14;
	v1 =	vsel vm3, v1, v5  }
0xc5: {  	s10 =	sadd.s32 s10, s1;
	v1 =	vsel vm4, v6, v1  }
0xc6: {  	s15 =	sadd.s32 s6, s10;
	[tilespmem:$0x1AF80] =	vst v1  }
0xc7: {  	[spmem:s15] =	stream.linear.scatter [tilespmem:s7], [sflag:$0x1], $0x10, $0x38;
	[tilespmem:$0x1BF20] =	vst v63  }
0xc8: {  	_ =	swait.ge [sflag:s8], $0x10  }
0xc9: {  	[sflag:s8] =	ssyncset.done $0x0  }
0xca: {  	[sflag:s8] =	ssyncadd.s32 $0xFFFFFFF0  }
0xcb: {  	[bflag:$0x0] =	sbarrier.arrive $0xFFFF  }
0xcc: {  	[tilespmem:s9], [sflag:$0x1] =	stream.linear.gather [spmem:s10], $0x100, $0x38;
	[tilespmem:$0x1BF20] =	vst v63  }
0xcd: {  	_ =	swait.ge [sflag:s8], $0x100  }
0xce: {  	[sflag:s8] =	ssyncset.done $0x0  }
0xcf: {  	[sflag:s8] =	ssyncadd.s32 $0xFFFFFF00  }
0xd0: {  	v1 =	vld [tilespmem:$0x1B000];
	_ =	sdelay $0x1  }
0xd1: {  	v2 =	vld [tilespmem:$0x1B010];
	_ =	sdelay $0x2  }
0xd2: {  	(v2sf) =	vpush v1, $0x5  }
0xd3: {  	(v2sf) =	vpush v1, $0x7  }
0xd4: {  	(v2sf) =	vpush v2, $0x5  }
0xd5: {  	(v2sf) =	vpush v2, $0x7  }
0xd6: {  	v1 =	vld [tilespmem:$0x1B020];
	_ =	sdelay $0x4  }
0xd7: {  	(v2sf) =	vpush v1, $0x5  }
0xd8: {  	(v2sf) =	vpush v1, $0x7  }
0xd9: {  	v1 =	vld [tilespmem:$0x1B030];
	_ =	sdelay $0x3  }
0xda: {  	s12 =	spop (v2sf)  }
0xdb: {  	(v2sf) =	vpush v1, $0x5;
	s10 =	spop (v2sf)  }
0xdc: {  	(v2sf) =	vpush v1, $0x7;
	s11 =	spop (v2sf)  }
0xdd: {  	v1 =	vld [tilespmem:$0x1B040];
	s13 =	spop (v2sf)  }
0xde: {  	p1 =	seq.f32 s11, s12;
	p2 =	slt.f32 s13, s10  }
0xdf: {  	_ = 	snop  }
0xe0: {  	p3 =	sgt.f32 s11, s12;
	p0 =	por !p1, !p2  }
0xe1: {  	p0 =	por !p0, !p0  }
0xe2: {  	(v2sf) =	vpush v1, $0x5;
	p0 =	por p3, p0  }
0xe3: {  	(v2sf) =	vpush v1, $0x7;
	s12 =	smov.u32 @p0 s11;
	s11 =	spop (v2sf)  }
0xe4: {  	v1 =	vld [tilespmem:$0x1B050];
	s10 =	smov.u32 @p0 s13;
	s13 =	spop (v2sf)  }
0xe5: {  	p4 =	seq.f32 s11, s12;
	p5 =	slt.f32 s13, s10  }
0xe6: {  	s14 =	simm.s32 @!p0 $0x0  }
0xe7: {  	s14 =	simm.s32 @p0 $0x1;
	p6 =	sgt.f32 s11, s12;
	p0 =	por !p4, !p5  }
0xe8: {  	p0 =	por !p0, !p0  }
0xe9: {  	(v2sf) =	vpush v1, $0x5;
	p0 =	por p6, p0  }
0xea: {  	(v2sf) =	vpush v1, $0x7;
	s12 =	smov.u32 @p0 s11;
	s11 =	spop (v2sf)  }
0xeb: {  	v1 =	vld [tilespmem:$0x1B060];
	s10 =	smov.u32 @p0 s13;
	s13 =	spop (v2sf)  }
0xec: {  	p1 =	seq.f32 s11, s12;
	p2 =	slt.f32 s13, s10  }
0xed: {  	[smem:$0x7F4] =	sst s14;
	s14 =	simm.s32 @!p0 $0x0  }
0xee: {  	s14 =	simm.s32 @p0 $0x1;
	p3 =	sgt.f32 s11, s12;
	p0 =	por !p1, !p2  }
0xef: {  	p0 =	por !p0, !p0  }
0xf0: {  	(v2sf) =	vpush v1, $0x5;
	p0 =	por p3, p0  }
0xf1: {  	(v2sf) =	vpush v1, $0x7;
	s12 =	smov.u32 @p0 s11;
	s11 =	spop (v2sf)  }
0xf2: {  	v1 =	vld [tilespmem:$0x1B070];
	s10 =	smov.u32 @p0 s13;
	s13 =	spop (v2sf)  }
0xf3: {  	p4 =	seq.f32 s11, s12;
	p5 =	slt.f32 s13, s10  }
0xf4: {  	[smem:$0x7F5] =	sst s14;
	s14 =	simm.s32 @!p0 $0x0  }
0xf5: {  	s14 =	simm.s32 @p0 $0x1;
	p6 =	sgt.f32 s11, s12;
	p0 =	por !p4, !p5  }
0xf6: {  	p0 =	por !p0, !p0  }
0xf7: {  	(v2sf) =	vpush v1, $0x5;
	p0 =	por p6, p0  }
0xf8: {  	(v2sf) =	vpush v1, $0x7;
	s12 =	smov.u32 @p0 s11;
	s11 =	spop (v2sf)  }
0xf9: {  	v1 =	vld [tilespmem:$0x1B080];
	s10 =	smov.u32 @p0 s13;
	s13 =	spop (v2sf)  }
0xfa: {  	p1 =	seq.f32 s11, s12;
	p2 =	slt.f32 s13, s10  }
0xfb: {  	[smem:$0x7F6] =	sst s14;
	s14 =	simm.s32 @!p0 $0x0  }
0xfc: {  	s14 =	simm.s32 @p0 $0x1;
	p3 =	sgt.f32 s11, s12;
	p0 =	por !p1, !p2  }
0xfd: {  	p0 =	por !p0, !p0  }
0xfe: {  	(v2sf) =	vpush v1, $0x5;
	p0 =	por p3, p0  }
0xff: {  	(v2sf) =	vpush v1, $0x7;
	s12 =	smov.u32 @p0 s11;
	s11 =	spop (v2sf)  }
0x100: {  	v1 =	vld [tilespmem:$0x1B090];
	s10 =	smov.u32 @p0 s13;
	s13 =	spop (v2sf)  }
0x101: {  	p4 =	seq.f32 s11, s12;
	p5 =	slt.f32 s13, s10  }
0x102: {  	[smem:$0x7F7] =	sst s14;
	s14 =	simm.s32 @!p0 $0x0  }
0x103: {  	s14 =	simm.s32 @p0 $0x1;
	p6 =	sgt.f32 s11, s12;
	p0 =	por !p4, !p5  }
0x104: {  	p0 =	por !p0, !p0  }
0x105: {  	(v2sf) =	vpush v1, $0x5;
	p0 =	por p6, p0  }
0x106: {  	(v2sf) =	vpush v1, $0x7;
	s12 =	smov.u32 @p0 s11;
	s11 =	spop (v2sf)  }
0x107: {  	v1 =	vld [tilespmem:$0x1B0A0];
	s10 =	smov.u32 @p0 s13;
	s13 =	spop (v2sf)  }
0x108: {  	p1 =	seq.f32 s11, s12;
	p2 =	slt.f32 s13, s10  }
0x109: {  	[smem:$0x7F8] =	sst s14;
	s14 =	simm.s32 @!p0 $0x0  }
0x10a: {  	s14 =	simm.s32 @p0 $0x1;
	p3 =	sgt.f32 s11, s12;
	p0 =	por !p1, !p2  }
0x10b: {  	p0 =	por !p0, !p0  }
0x10c: {  	(v2sf) =	vpush v1, $0x5;
	p0 =	por p3, p0  }
0x10d: {  	(v2sf) =	vpush v1, $0x7;
	s12 =	smov.u32 @p0 s11;
	s11 =	spop (v2sf)  }
0x10e: {  	v1 =	vld [tilespmem:$0x1B0B0];
	s10 =	smov.u32 @p0 s13;
	s13 =	spop (v2sf)  }
0x10f: {  	p4 =	seq.f32 s11, s12;
	p5 =	slt.f32 s13, s10  }
0x110: {  	[smem:$0x7F9] =	sst s14;
	s14 =	simm.s32 @!p0 $0x0  }
0x111: {  	s14 =	simm.s32 @p0 $0x1;
	p6 =	sgt.f32 s11, s12;
	p0 =	por !p4, !p5  }
0x112: {  	p0 =	por !p0, !p0  }
0x113: {  	(v2sf) =	vpush v1, $0x5;
	p0 =	por p6, p0  }
0x114: {  	(v2sf) =	vpush v1, $0x7;
	s12 =	smov.u32 @p0 s11;
	s11 =	spop (v2sf)  }
0x115: {  	v1 =	vld [tilespmem:$0x1B0C0];
	s10 =	smov.u32 @p0 s13;
	s13 =	spop (v2sf)  }
0x116: {  	p2 =	seq.f32 s11, s12;
	p3 =	slt.f32 s13, s10  }
0x117: {  	[smem:$0x7FA] =	sst s14;
	s14 =	simm.s32 @!p0 $0x0  }
0x118: {  	s14 =	simm.s32 @p0 $0x1;
	p4 =	sgt.f32 s11, s12;
	p0 =	por !p2, !p3  }
0x119: {  	p0 =	por !p0, !p0  }
0x11a: {  	(v2sf) =	vpush v1, $0x5;
	p0 =	por p4, p0  }
0x11b: {  	(v2sf) =	vpush v1, $0x7;
	s12 =	smov.u32 @p0 s11;
	s11 =	spop (v2sf)  }
0x11c: {  	v1 =	vld [tilespmem:$0x1B0D0];
	s10 =	smov.u32 @p0 s13;
	s13 =	spop (v2sf)  }
0x11d: {  	p5 =	seq.f32 s11, s12;
	p6 =	slt.f32 s13, s10  }
0x11e: {  	[smem:$0x7FB] =	sst s14;
	s14 =	simm.s32 @!p0 $0x0  }
0x11f: {  	s14 =	simm.s32 @p0 $0x1;
	p2 =	sgt.f32 s11, s12;
	p0 =	por !p5, !p6  }
0x120: {  	p0 =	por !p0, !p0  }
0x121: {  	(v2sf) =	vpush v1, $0x5;
	p4 =	por p2, p0  }
0x122: {  	(v2sf) =	vpush v1, $0x7;
	s12 =	smov.u32 @p4 s11;
	s11 =	spop (v2sf)  }
0x123: {  	v1 =	vld [tilespmem:$0x1B0E0];
	s10 =	smov.u32 @p4 s13;
	s13 =	spop (v2sf)  }
0x124: {  	p3 =	seq.f32 s11, s12;
	p5 =	slt.f32 s13, s10  }
0x125: {  	_ = 	snop  }
0x126: {  	p6 =	sgt.f32 s11, s12;
	p0 =	por !p3, !p5  }
0x127: {  	p0 =	por !p0, !p0  }
0x128: {  	(v2sf) =	vpush v1, $0x5;
	p5 =	por p6, p0  }
0x129: {  	(v2sf) =	vpush v1, $0x7;
	s12 =	smov.u32 @p5 s11;
	s11 =	spop (v2sf)  }
0x12a: {  	s10 =	smov.u32 @p5 s13;
	s13 =	spop (v2sf)  }
0x12b: {  	p2 =	seq.f32 s11, s12;
	p3 =	slt.f32 s13, s10  }
0x12c: {  	s15 =	sld [smem:$0x7F4];
	v1 =	vld [tilespmem:$0x1B0F0]  }
0x12d: {  	s16 =	sld [smem:$0x7F5];
	p6 =	sgt.f32 s11, s12;
	p0 =	por !p2, !p3  }
0x12e: {  	s17 =	sld [smem:$0x7F6];
	p0 =	por !p0, !p0  }
0x12f: {  	s18 =	sld [smem:$0x7F7];
	p3 =	por p6, p0  }
0x130: {  	s19 =	sld [smem:$0x7F8];
	s12 =	smov.u32 @p3 s11;
	s11 =	spop (v2sf)  }
0x131: {  	s20 =	sld [smem:$0x7F9];
	(v2sf) =	vpush v1, $0x5;
	s10 =	smov.u32 @p3 s13;
	s13 =	spop (v2sf)  }
0x132: {  	(v2sf) =	vpush v1, $0x7;
	p0 =	seq.f32 s11, s12;
	p6 =	slt.f32 s13, s10  }
0x133: {  	p1 =	seq.s32 s16, $0x1;
	[smem:$0x7FC] =	sst s14;
	s14 =	simm.s32 $0x10  }
0x134: {  	p2 =	seq.s32 s15, $0x1;
	p0 =	por !p0, !p6;
	p6 =	sgt.f32 s11, s12  }
0x135: {  	s21 =	sld [smem:$0x7FA];
	s14 =	simm.s32 @!p2 $0x0;
	p0 =	por !p0, !p0  }
0x136: {  	p2 =	seq.s32 s17, $0x1;
	s14 =	simm.s32 @p1 $0x20;
	p0 =	por p6, p0  }
0x137: {  	p1 =	seq.s32 s18, $0x1;
	s12 =	smov.u32 @p0 s11;
	s11 =	spop (v2sf)  }
0x138: {  	s14 =	simm.s32 @p2 $0x30;
	s10 =	smov.u32 @p0 s13;
	s13 =	spop (v2sf)  }
0x139: {  	s14 =	simm.s32 @p1 $0x40;
	p2 =	seq.f32 s11, s12;
	p1 =	slt.f32 s13, s10  }
0x13a: {  	s22 =	sld [smem:$0x7FB];
	p6 =	seq.s32 s19, $0x1  }
0x13b: {  	s14 =	simm.s32 @p6 $0x50;
	p1 =	por !p2, !p1;
	p2 =	seq.s32 s20, $0x1  }
0x13c: {  	s14 =	simm.s32 @p2 $0x60;
	p2 =	sgt.f32 s11, s12  }
0x13d: {  	s24 =	sld [smem:$0x7FC];
	p6 =	seq.s32 s21, $0x1;
	p1 =	por !p1, !p1  }
0x13e: {  	s14 =	simm.s32 @p6 $0x70;
	p6 =	por p2, p1;
	p1 =	seq.s32 s22, $0x1  }
0x13f: {  	s14 =	simm.s32 @p1 $0x80  }
0x140: {  	s12 =	smov.u32 @p6 s11;
	s11 =	spop (v2sf);
	p1 =	seq.s32 s24, $0x1  }
0x141: {  	s10 =	smov.u32 @p6 s13;
	s23 =	spop (v2sf);
	s14 =	simm.s32 @p1 $0x90  }
0x142: {  	p2 =	seq.f32 s11, s12;
	s14 =	simm.s32 @p4 $0xA0;
	p4 =	slt.f32 s23, s10  }
0x143: {  	s14 =	simm.s32 @p5 $0xB0  }
0x144: {  	p1 =	por !p2, !p4;
	s14 =	simm.s32 @p3 $0xC0;
	p4 =	sgt.f32 s11, s12  }
0x145: {  	s14 =	simm.s32 @p0 $0xD0;
	p5 =	por !p1, !p1  }
0x146: {  	p0 =	por p4, p5;
	s14 =	simm.s32 @p6 $0xE0  }
0x147: {  	s14 =	simm.s32 @p0 $0xF0  }
0x148: {  	s25 =	sld [smem:$0x7FD];
	v4 =	vld [tilespmem:s14+$0x1B000];
	_ =	sdelay $0x2  }
0x149: {  	p1 =	seq.s32 s25, $0x1  }
0x14a: {  	v1 =	vld @!p1 [tilespmem:$0x19000]  }
0x14b: {  	(v2sf) =	vpush v4, $0x0  }
0x14c: {  	v2 =	vld @!p1 [tilespmem:$0x19500];
	(v2sf) =	vpush v4, $0x1  }
0x14d: {  	v3 =	vld @!p1 [tilespmem:$0x19A00];
	(v2sf) =	vpush v4, $0x2  }
0x14e: {  	v5 =	vld @!p1 [tilespmem:$0x19F00];
	(v2sf) =	vpush v4, $0x3  }
0x14f: {  	(v2sf) =	vpush @!p1 v1, $0x0;
	v1 =	vld @!p1 [tilespmem:$0x1AA00];
	_ =	sdelay $0x1  }
0x150: {  	(v2sf) =	vpush @!p1 v2, $0x0  }
0x151: {  	(v2sf) =	vpush @!p1 v3, $0x0  }
0x152: {  	(v2sf) =	vpush @!p1 v5, $0x0  }
0x153: {  	(v2sf) =	vpush @!p1 v1, $0x0  }
0x154: {  	(v2sf) =	vpush @!p1 v4, $0x4;
	_ =	sdelay $0x1  }
0x155: {  	(v2sf) =	vpush @!p1 v4, $0x6;
	_ =	sdelay $0x3  }
0x156: {  	s26 =	spop (v2sf)  }
0x157: {  	s28 =	spop (v2sf)  }
0x158: {  	s29 =	spop (v2sf)  }
0x159: {  	s16 =	spop (v2sf)  }
0x15a: {  	s10 =	spop @!p1 (v2sf)  }
0x15b: {  	s17 =	spop @!p1 (v2sf)  }
0x15c: {  	s12 =	smov.u32 @p0 s11;
	s11 =	sld @!p1 [smem:$0x0];
	s18 =	spop @!p1 (v2sf)  }
0x15d: {  	p0 =	sge.f32 @!p1 s12, $0.0e+00;
	s19 =	spop @!p1 (v2sf)  }
0x15e: {  	s20 =	spop @!p1 (v2sf)  }
0x15f: {  	p0 =	por !p0, p1;
	s21 =	spop @!p1 (v2sf)  }
0x160: {  	v1 =	vlaneseq.u32 @!p1;
	s21 =	smov.u32 @p0 s11;
	s11 =	smov.u32 s26  }
0x161: {  	vm6 =	veq.s32 @!p1 v1, $0x0;
	s11 =	smov.u32 @p0 s10;
	s10 =	smov.u32 s28;
	v2 =	vmov @!p1 s21;
	s21 =	spop @!p1 (v2sf)  }
0x162: {  	s10 =	smov.u32 @p0 s17;
	s17 =	smov.u32 s29;
	s21 =	scvt.f32.s32 @!p1 s21;
	v2 =	vsel @!p1 vm6, s11, v2;
	vm6 =	veq.s32 @!p1 v1, $0x1  }
0x163: {  	s11 =	smov.u32 s16;
	s17 =	smov.u32 @p0 s18;
	v2 =	vsel @!p1 vm6, s10, v2;
	vm6 =	veq.s32 @!p1 v1, $0x2  }
0x164: {  	s11 =	smov.u32 @p0 s19;
	s21 =	smov.u32 @p0 s20;
	v2 =	vsel @!p1 vm6, s17, v2;
	vm6 =	veq.s32 @!p1 v1, $0x3  }
0x165: {  	s10 =	sshll.u32 @!p1 s5, $0x4;
	v1 =	vsel @!p1 vm6, s11, v2;
	v2 =	vmov @!p1 s21  }
0x166: {  	v2 =	vnsel @!p1 vm5, $0x0, v2;
	[tilespmem:s10+$0x1B100] =	vst @!p1 v1  }
0x167: {  	[tilespmem:s10+$0x1B800] =	vst @!p1 v2;
	s10 =	simm.s32 $0x19A00  }
0x168: {  	v6 =	vld [tilespmem:s10+$0xFFFFF600]  }
0x169: {  	v7 =	vld [tilespmem:s10+$0x500]  }
0x16a: {  	v8 =	vld [tilespmem:s10+$0x0]  }
0x16b: {  	v9 =	vld [tilespmem:s10+$0xFFFFFB00]  }
0x16c: {  	v3 =	vbroadcast v4, $0x3  }
0x16d: {  	v1 =	vbroadcast v4, $0x0;
	v2 =	vbroadcast v4, $0x2  }
0x16e: {  	v5 =	vbroadcast v4, $0x1;
	s30 =	ssub.f32 s29, s26  }
0x16f: {  	s31 =	ssub.f32 s16, s28;
	v4 =	vmax.f32 v6, v1;
	v10 =	vmin.f32 v8, v2;
	v11 =	vmin.f32 v7, v3  }
0x170: {  	v6 =	vsub.f32 v8, v6;
	v7 =	vsub.f32 v7, v9;
	v8 =	vmax.f32 v9, v5  }
0x171: {  	s11 =	smul.f32 s31, s30;
	v4 =	vsub.f32 v10, v4;
	v8 =	vsub.f32 v11, v8  }
0x172: {  	v7 =	vmul.f32 v7, v6  }
0x173: {  	v6 =	vmov s11;
	v4 =	vmax.f32 v4, $0.0e+00;
	v8 =	vmax.f32 v8, $0.0e+00  }
0x174: {  	v4 =	vmul.f32 v8, v4;
	v7 =	vadd.f32 v7, v6;
	_ =	sdelay $0x1  }
0x175: {  	v7 =	vsub.f32 v7, v4;
	_ =	sdelay $0x1  }
0x176: {  	v7 =	vadd.f32 $9.999999710e-10, v7;
	_ =	sdelay $0x1  }
0x177: {  	(erf) = vrcp.f32 v7;
	_ =	sdelay $0x6  }
0x178: {  	s11 =	simm.s32 $0x1A4C0  }
0x179: {  	p0 =	sge.f32 s12, $0.0e+00;
	v7 =	vld [tilespmem:s11+$0xFFFFFFC0]  }
0x17a: {  	s12 =	simm.f32 $6.000000240e-01;
	v8 =	vpop (erf)  }
0x17b: {  	s12 =	simm.s32 @!p0 $0xBF800000;
	v8 =	vmul.f32 v8, v4  }
0x17c: {  	v4 =	vmov s12  }
0x17d: {  	vm6 =	vle.f32 v8, v4  }
0x17e: {  	v7 =	vnsel vm6, $0xBF800000, v7  }
0x17f: {  	[tilespmem:s11+$0xFFFFFFC0] =	vst v7  }
0x180: {  	v8 =	vld [tilespmem:s10+$0x510]  }
0x181: {  	v9 =	vld [tilespmem:s10+$0x10]  }
0x182: {  	v10 =	vld [tilespmem:s10+$0xFFFFF610]  }
0x183: {  	v11 =	vld [tilespmem:s10+$0xFFFFFB10];
	_ =	sdelay $0x3  }
0x184: {  	v12 =	vmin.f32 v8, v3;
	v13 =	vmin.f32 v9, v2;
	v9 =	vsub.f32 v9, v10  }
0x185: {  	v10 =	vmax.f32 v10, v1;
	v8 =	vsub.f32 v8, v11;
	v11 =	vmax.f32 v11, v5  }
0x186: {  	v10 =	vsub.f32 v13, v10;
	v11 =	vsub.f32 v12, v11  }
0x187: {  	v8 =	vmul.f32 v8, v9  }
0x188: {  	v9 =	vmax.f32 v10, $0.0e+00;
	v10 =	vmax.f32 v11, $0.0e+00  }
0x189: {  	v9 =	vmul.f32 v10, v9;
	v8 =	vadd.f32 v8, v6;
	_ =	sdelay $0x1  }
0x18a: {  	v8 =	vsub.f32 v8, v9;
	_ =	sdelay $0x1  }
0x18b: {  	v8 =	vadd.f32 $9.999999710e-10, v8;
	_ =	sdelay $0x1  }
0x18c: {  	(erf) = vrcp.f32 v8;
	_ =	sdelay $0x7  }
0x18d: {  	v8 =	vld [tilespmem:s11+$0xFFFFFFD0]  }
0x18e: {  	v10 =	vpop (erf)  }
0x18f: {  	v9 =	vmul.f32 v10, v9;
	_ =	sdelay $0x1  }
0x190: {  	vm6 =	vle.f32 v9, v4  }
0x191: {  	v9 =	vnsel vm6, $0xBF800000, v8  }
0x192: {  	[tilespmem:s11+$0xFFFFFFD0] =	vst v9  }
0x193: {  	v8 =	vld [tilespmem:s10+$0x520]  }
0x194: {  	v10 =	vld [tilespmem:s10+$0xFFFFFB20]  }
0x195: {  	v11 =	vld [tilespmem:s10+$0xFFFFF620]  }
0x196: {  	v12 =	vld [tilespmem:s10+$0x20];
	_ =	sdelay $0x3  }
0x197: {  	v13 =	vsub.f32 v8, v10;
	v10 =	vmax.f32 v10, v5;
	v14 =	vmax.f32 v11, v1  }
0x198: {  	v8 =	vmin.f32 v8, v3;
	v11 =	vsub.f32 v12, v11;
	v12 =	vmin.f32 v12, v2  }
0x199: {  	v8 =	vsub.f32 v8, v10;
	v10 =	vsub.f32 v12, v14  }
0x19a: {  	v11 =	vmul.f32 v13, v11  }
0x19b: {  	v8 =	vmax.f32 v8, $0.0e+00;
	v10 =	vmax.f32 v10, $0.0e+00  }
0x19c: {  	v8 =	vmul.f32 v8, v10;
	v10 =	vadd.f32 v11, v6;
	_ =	sdelay $0x1  }
0x19d: {  	v10 =	vsub.f32 v10, v8;
	_ =	sdelay $0x1  }
0x19e: {  	v10 =	vadd.f32 $9.999999710e-10, v10;
	_ =	sdelay $0x1  }
0x19f: {  	(erf) = vrcp.f32 v10;
	_ =	sdelay $0x7  }
0x1a0: {  	v10 =	vld [tilespmem:s11+$0xFFFFFFE0]  }
0x1a1: {  	v11 =	vpop (erf)  }
0x1a2: {  	v8 =	vmul.f32 v11, v8;
	_ =	sdelay $0x1  }
0x1a3: {  	vm6 =	vle.f32 v8, v4  }
0x1a4: {  	v10 =	vnsel vm6, $0xBF800000, v10  }
0x1a5: {  	[tilespmem:s11+$0xFFFFFFE0] =	vst v10  }
0x1a6: {  	v8 =	vld [tilespmem:s10+$0x530]  }
0x1a7: {  	v11 =	vld [tilespmem:s10+$0xFFFFFB30]  }
0x1a8: {  	v12 =	vld [tilespmem:s10+$0xFFFFF630]  }
0x1a9: {  	v13 =	vld [tilespmem:s10+$0x30];
	_ =	sdelay $0x3  }
0x1aa: {  	v14 =	vsub.f32 v8, v11;
	v11 =	vmax.f32 v11, v5;
	v8 =	vmin.f32 v8, v3  }
0x1ab: {  	v15 =	vmax.f32 v12, v1;
	v12 =	vsub.f32 v13, v12;
	v13 =	vmin.f32 v13, v2  }
0x1ac: {  	v8 =	vsub.f32 v8, v11;
	v11 =	vsub.f32 v13, v15  }
0x1ad: {  	v12 =	vmul.f32 v14, v12  }
0x1ae: {  	v8 =	vmax.f32 v8, $0.0e+00;
	v11 =	vmax.f32 v11, $0.0e+00  }
0x1af: {  	v8 =	vmul.f32 v8, v11;
	v11 =	vadd.f32 v12, v6;
	_ =	sdelay $0x1  }
0x1b0: {  	v11 =	vsub.f32 v11, v8;
	_ =	sdelay $0x1  }
0x1b1: {  	v11 =	vadd.f32 $9.999999710e-10, v11;
	_ =	sdelay $0x1  }
0x1b2: {  	(erf) = vrcp.f32 v11;
	_ =	sdelay $0x7  }
0x1b3: {  	v11 =	vld [tilespmem:s11+$0xFFFFFFF0]  }
0x1b4: {  	v12 =	vpop (erf)  }
0x1b5: {  	v8 =	vmul.f32 v12, v8;
	_ =	sdelay $0x1  }
0x1b6: {  	vm6 =	vle.f32 v8, v4  }
0x1b7: {  	v11 =	vnsel vm6, $0xBF800000, v11  }
0x1b8: {  	[tilespmem:s11+$0xFFFFFFF0] =	vst v11  }
0x1b9: {  	v8 =	vld [tilespmem:s10+$0x40]  }
0x1ba: {  	v12 =	vld [tilespmem:s10+$0xFFFFFB40]  }
0x1bb: {  	v13 =	vld [tilespmem:s10+$0x540]  }
0x1bc: {  	v14 =	vld [tilespmem:s10+$0xFFFFF640];
	_ =	sdelay $0x3  }
0x1bd: {  	v15 =	vmax.f32 v12, v5;
	v12 =	vsub.f32 v13, v12;
	v16 =	vmin.f32 v8, v2  }
0x1be: {  	v13 =	vmin.f32 v13, v3;
	v8 =	vsub.f32 v8, v14;
	v14 =	vmax.f32 v14, v1  }
0x1bf: {  	v13 =	vsub.f32 v13, v15;
	v14 =	vsub.f32 v16, v14  }
0x1c0: {  	v8 =	vmul.f32 v12, v8  }
0x1c1: {  	v12 =	vmax.f32 v13, $0.0e+00;
	v13 =	vmax.f32 v14, $0.0e+00  }
0x1c2: {  	v12 =	vmul.f32 v12, v13;
	v8 =	vadd.f32 v8, v6;
	_ =	sdelay $0x1  }
0x1c3: {  	v8 =	vsub.f32 v8, v12;
	_ =	sdelay $0x1  }
0x1c4: {  	v8 =	vadd.f32 $9.999999710e-10, v8;
	_ =	sdelay $0x1  }
0x1c5: {  	(erf) = vrcp.f32 v8;
	_ =	sdelay $0x7  }
0x1c6: {  	v8 =	vld [tilespmem:s11+$0x0]  }
0x1c7: {  	v13 =	vpop (erf)  }
0x1c8: {  	v12 =	vmul.f32 v13, v12;
	_ =	sdelay $0x1  }
0x1c9: {  	vm6 =	vle.f32 v12, v4  }
0x1ca: {  	v12 =	vnsel vm6, $0xBF800000, v8  }
0x1cb: {  	[tilespmem:s11+$0x0] =	vst v12  }
0x1cc: {  	v8 =	vld [tilespmem:s10+$0xFFFFFB50]  }
0x1cd: {  	v13 =	vld [tilespmem:s10+$0x50]  }
0x1ce: {  	v14 =	vld [tilespmem:s10+$0xFFFFF650]  }
0x1cf: {  	v15 =	vld [tilespmem:s10+$0x550];
	_ =	sdelay $0x3  }
0x1d0: {  	v60 =	vmax.f32 v8, v5;
	v17 =	vsub.f32 v13, v14;
	v14 =	vmax.f32 v14, v1  }
0x1d1: {  	v13 =	vmin.f32 v13, v2;
	v8 =	vsub.f32 v15, v8;
	v15 =	vmin.f32 v15, v3  }
0x1d2: {  	v13 =	vsub.f32 v13, v14;
	v14 =	vsub.f32 v15, v60  }
0x1d3: {  	v8 =	vmul.f32 v8, v17  }
0x1d4: {  	v13 =	vmax.f32 v13, $0.0e+00;
	v14 =	vmax.f32 v14, $0.0e+00  }
0x1d5: {  	v13 =	vmul.f32 v14, v13;
	v8 =	vadd.f32 v8, v6;
	_ =	sdelay $0x1  }
0x1d6: {  	v8 =	vsub.f32 v8, v13;
	_ =	sdelay $0x1  }
0x1d7: {  	v8 =	vadd.f32 $9.999999710e-10, v8;
	_ =	sdelay $0x1  }
0x1d8: {  	(erf) = vrcp.f32 v8;
	_ =	sdelay $0x7  }
0x1d9: {  	v8 =	vld [tilespmem:s11+$0x10]  }
0x1da: {  	v14 =	vpop (erf)  }
0x1db: {  	v13 =	vmul.f32 v14, v13;
	_ =	sdelay $0x1  }
0x1dc: {  	vm6 =	vle.f32 v13, v4  }
0x1dd: {  	v13 =	vnsel vm6, $0xBF800000, v8  }
0x1de: {  	[tilespmem:s11+$0x10] =	vst v13  }
0x1df: {  	v8 =	vld [tilespmem:s10+$0x560]  }
0x1e0: {  	v14 =	vld [tilespmem:s10+$0xFFFFFB60]  }
0x1e1: {  	v15 =	vld [tilespmem:s10+$0xFFFFF660]  }
0x1e2: {  	v61 =	vld [tilespmem:s10+$0x60];
	_ =	sdelay $0x3  }
0x1e3: {  	v62 =	vsub.f32 v8, v14;
	v14 =	vmax.f32 v14, v5;
	v8 =	vmin.f32 v8, v3  }
0x1e4: {  	v18 =	vmax.f32 v15, v1;
	v15 =	vsub.f32 v61, v15;
	v16 =	vmin.f32 v61, v2  }
0x1e5: {  	v8 =	vsub.f32 v8, v14;
	v14 =	vsub.f32 v16, v18  }
0x1e6: {  	v15 =	vmul.f32 v62, v15  }
0x1e7: {  	v8 =	vmax.f32 v8, $0.0e+00;
	v14 =	vmax.f32 v14, $0.0e+00  }
0x1e8: {  	v8 =	vmul.f32 v8, v14;
	v14 =	vadd.f32 v15, v6;
	_ =	sdelay $0x1  }
0x1e9: {  	v14 =	vsub.f32 v14, v8;
	_ =	sdelay $0x1  }
0x1ea: {  	v14 =	vadd.f32 $9.999999710e-10, v14;
	_ =	sdelay $0x1  }
0x1eb: {  	(erf) = vrcp.f32 v14;
	_ =	sdelay $0x7  }
0x1ec: {  	v14 =	vld [tilespmem:s11+$0x20]  }
0x1ed: {  	v15 =	vpop (erf)  }
0x1ee: {  	v8 =	vmul.f32 v15, v8;
	v15 =	vimm.f32 $-2.000000000e+00  }
0x1ef: {  	vm6 =	vgt.f32 v7, v15  }
0x1f0: {  	v7 =	vsel vm6, v7, v15;
	vm8 =	vle.f32 v8, v4  }
0x1f1: {  	vm7 =	vgt.f32 v9, v7;
	v8 =	vnsel vm8, $0xBF800000, v14  }
0x1f2: {  	v7 =	vsel vm7, v9, v7;
	[tilespmem:s11+$0x20] =	vst v8  }
0x1f3: {  	vm8 =	vgt.f32 v10, v7;
	v9 =	vld [tilespmem:s10+$0xFFFFF670]  }
0x1f4: {  	v14 =	vld [tilespmem:s10+$0x570];
	v7 =	vsel vm8, v10, v7  }
0x1f5: {  	v10 =	vld [tilespmem:s10+$0xFFFFFB70];
	vm9 =	vgt.f32 v11, v7  }
0x1f6: {  	v7 =	vsel vm9, v11, v7;
	v11 =	vld [tilespmem:s10+$0x70];
	_ =	sdelay $0x1  }
0x1f7: {  	vm10 =	vgt.f32 v12, v7  }
0x1f8: {  	v7 =	vsel vm10, v12, v7  }
0x1f9: {  	v12 =	vmax.f32 v9, v1;
	v15 =	vmax.f32 v10, v5;
	v10 =	vsub.f32 v14, v10  }
0x1fa: {  	v14 =	vmin.f32 v14, v3;
	v63 =	vsub.f32 v11, v9;
	v11 =	vmin.f32 v11, v2  }
0x1fb: {  	vm11 =	vgt.f32 v13, v7;
	v11 =	vsub.f32 v11, v12;
	v12 =	vsub.f32 v14, v15  }
0x1fc: {  	v9 =	vsel vm11, v13, v7;
	v7 =	vimm.s32 $0x0;
	v10 =	vmul.f32 v10, v63  }
0x1fd: {  	s13 =	simm.s32 $0x0;
	s14 =	simm.s32 $0x80;
	s12 =	simm.s32 $0x1A4C0;
	vm12 =	vgt.f32 v8, v9;
	v11 =	vmax.f32 v11, $0.0e+00;
	v12 =	vmax.f32 v12, $0.0e+00  }
.LBB2_6:
0x1fe: {  	p1 =	sne.s32 s14, $0x480;
	v11 =	vmul.f32 v12, v11;
	v10 =	vadd.f32 v10, v6;
	s11 =	sadd.s32 $0x80, s11;
	s10 =	sadd.s32 $0x80, s10  }
0x1ff: {  	s15 =	smov.u32 s14;
	s14 =	sadd.s32 $0x80, s14  }
0x200: {  	v10 =	vsub.f32 v10, v11;
	_ =	sdelay $0x1  }
0x201: {  	v10 =	vadd.f32 $9.999999710e-10, v10;
	_ =	sdelay $0x1  }
0x202: {  	(erf) = vrcp.f32 v10;
	_ =	sdelay $0x5  }
0x203: {  	s16 =	sadd.s32 s13, s4;
	s13 =	smov.u32 s15  }
0x204: {  	s15 =	sadd.s32 $0x10, s16;
	s17 =	sadd.s32 $0x20, s16;
	s18 =	sadd.s32 $0x30, s16;
	v10 =	vor.u32 s16, v0  }
0x205: {  	s19 =	sadd.s32 $0x50, s16;
	s20 =	sadd.s32 $0x60, s16;
	v7 =	vsel vm6, v10, v7;
	v10 =	vor.u32 s15, v0;
	s15 =	sadd.s32 $0x40, s16;
	v12 =	vld [tilespmem:s12+$0x30]  }
0x206: {  	s16 =	sadd.s32 $0x70, s16;
	v7 =	vsel vm7, v10, v7;
	v10 =	vor.u32 s17, v0;
	v13 =	vpop (erf)  }
0x207: {  	v7 =	vsel vm8, v10, v7;
	v10 =	vor.u32 s18, v0;
	v11 =	vmul.f32 v13, v11  }
0x208: {  	v7 =	vsel vm9, v10, v7;
	v10 =	vor.u32 s15, v0;
	v13 =	vor.u32 s20, v0  }
0x209: {  	v7 =	vsel vm10, v10, v7;
	v10 =	vor.u32 s19, v0;
	vm6 =	vle.f32 v11, v4  }
0x20a: {  	v8 =	vsel vm12, v8, v9;
	v7 =	vsel vm11, v10, v7;
	v9 =	vnsel vm6, $0xBF800000, v12  }
0x20b: {  	v10 =	vor.u32 s16, v0;
	v7 =	vsel vm12, v13, v7;
	[tilespmem:s12+$0x30] =	vst v9;
	vm6 =	vgt.f32 v9, v8;
	s12 =	smov.u32 s11  }
0x20c: {  	v11 =	vld [tilespmem:s10+$0xFFFFF600];
	v8 =	vsel vm6, v9, v8;
	v7 =	vsel vm6, v10, v7  }
0x20d: {  	v9 =	vld [tilespmem:s10+$0x500]  }
0x20e: {  	v10 =	vld [tilespmem:s10+$0x0]  }
0x20f: {  	v12 =	vld [tilespmem:s10+$0xFFFFFB00];
	_ =	sdelay $0x3  }
0x210: {  	v13 =	vmax.f32 v11, v1;
	v15 =	vmin.f32 v9, v3;
	v14 =	vmin.f32 v10, v2  }
0x211: {  	v10 =	vsub.f32 v10, v11;
	v9 =	vsub.f32 v9, v12;
	v11 =	vmax.f32 v12, v5  }
0x212: {  	v12 =	vsub.f32 v14, v13;
	v11 =	vsub.f32 v15, v11  }
0x213: {  	v9 =	vmul.f32 v9, v10  }
0x214: {  	v10 =	vmax.f32 v12, $0.0e+00;
	v11 =	vmax.f32 v11, $0.0e+00  }
0x215: {  	v10 =	vmul.f32 v11, v10;
	v9 =	vadd.f32 v9, v6;
	_ =	sdelay $0x1  }
0x216: {  	v9 =	vsub.f32 v9, v10;
	_ =	sdelay $0x1  }
0x217: {  	v9 =	vadd.f32 $9.999999710e-10, v9;
	_ =	sdelay $0x1  }
0x218: {  	(erf) = vrcp.f32 v9;
	_ =	sdelay $0x7  }
0x219: {  	v9 =	vld [tilespmem:s11+$0xFFFFFFC0]  }
0x21a: {  	v11 =	vpop (erf)  }
0x21b: {  	v10 =	vmul.f32 v11, v10;
	_ =	sdelay $0x1  }
0x21c: {  	vm6 =	vle.f32 v10, v4  }
0x21d: {  	v9 =	vnsel vm6, $0xBF800000, v9  }
0x21e: {  	[tilespmem:s11+$0xFFFFFFC0] =	vst v9;
	vm6 =	vgt.f32 v9, v8  }
0x21f: {  	v10 =	vld [tilespmem:s10+$0x510]  }
0x220: {  	v11 =	vld [tilespmem:s10+$0x10]  }
0x221: {  	v12 =	vld [tilespmem:s10+$0xFFFFF610]  }
0x222: {  	v13 =	vld [tilespmem:s10+$0xFFFFFB10];
	_ =	sdelay $0x1  }
0x223: {  	v14 =	vmin.f32 v10, v3  }
0x224: {  	v15 =	vmin.f32 v11, v2  }
0x225: {  	v11 =	vsub.f32 v11, v12;
	v12 =	vmax.f32 v12, v1  }
0x226: {  	v10 =	vsub.f32 v10, v13;
	v13 =	vmax.f32 v13, v5;
	v12 =	vsub.f32 v15, v12  }
0x227: {  	v13 =	vsub.f32 v14, v13  }
0x228: {  	v10 =	vmul.f32 v10, v11;
	v11 =	vmax.f32 v12, $0.0e+00  }
0x229: {  	v12 =	vmax.f32 v13, $0.0e+00  }
0x22a: {  	v11 =	vmul.f32 v12, v11;
	v10 =	vadd.f32 v10, v6;
	_ =	sdelay $0x1  }
0x22b: {  	v10 =	vsub.f32 v10, v11;
	_ =	sdelay $0x1  }
0x22c: {  	v10 =	vadd.f32 $9.999999710e-10, v10;
	_ =	sdelay $0x1  }
0x22d: {  	(erf) = vrcp.f32 v10;
	_ =	sdelay $0x7  }
0x22e: {  	v10 =	vld [tilespmem:s11+$0xFFFFFFD0]  }
0x22f: {  	v12 =	vpop (erf)  }
0x230: {  	v11 =	vmul.f32 v12, v11;
	_ =	sdelay $0x1  }
0x231: {  	vm7 =	vle.f32 v11, v4  }
0x232: {  	v8 =	vsel vm6, v9, v8;
	v9 =	vnsel vm7, $0xBF800000, v10  }
0x233: {  	[tilespmem:s11+$0xFFFFFFD0] =	vst v9;
	vm7 =	vgt.f32 v9, v8  }
0x234: {  	v8 =	vsel vm7, v9, v8;
	v9 =	vld [tilespmem:s10+$0x520]  }
0x235: {  	v10 =	vld [tilespmem:s10+$0xFFFFFB20]  }
0x236: {  	v11 =	vld [tilespmem:s10+$0xFFFFF620]  }
0x237: {  	v12 =	vld [tilespmem:s10+$0x20];
	_ =	sdelay $0x2  }
0x238: {  	v13 =	vsub.f32 v9, v10;
	v10 =	vmax.f32 v10, v5  }
0x239: {  	v9 =	vmin.f32 v9, v3;
	v14 =	vmax.f32 v11, v1  }
0x23a: {  	v9 =	vsub.f32 v9, v10;
	v11 =	vsub.f32 v12, v11;
	v12 =	vmin.f32 v12, v2  }
0x23b: {  	v10 =	vsub.f32 v12, v14  }
0x23c: {  	v9 =	vmax.f32 v9, $0.0e+00;
	v11 =	vmul.f32 v13, v11  }
0x23d: {  	v10 =	vmax.f32 v10, $0.0e+00  }
0x23e: {  	v9 =	vmul.f32 v9, v10;
	v10 =	vadd.f32 v11, v6;
	_ =	sdelay $0x1  }
0x23f: {  	v10 =	vsub.f32 v10, v9;
	_ =	sdelay $0x1  }
0x240: {  	v10 =	vadd.f32 $9.999999710e-10, v10;
	_ =	sdelay $0x1  }
0x241: {  	(erf) = vrcp.f32 v10;
	_ =	sdelay $0x7  }
0x242: {  	v10 =	vld [tilespmem:s11+$0xFFFFFFE0]  }
0x243: {  	v11 =	vpop (erf)  }
0x244: {  	v9 =	vmul.f32 v11, v9;
	_ =	sdelay $0x1  }
0x245: {  	vm8 =	vle.f32 v9, v4  }
0x246: {  	v9 =	vnsel vm8, $0xBF800000, v10  }
0x247: {  	[tilespmem:s11+$0xFFFFFFE0] =	vst v9;
	vm8 =	vgt.f32 v9, v8  }
0x248: {  	v8 =	vsel vm8, v9, v8;
	v9 =	vld [tilespmem:s10+$0x530]  }
0x249: {  	v10 =	vld [tilespmem:s10+$0xFFFFFB30]  }
0x24a: {  	v11 =	vld [tilespmem:s10+$0xFFFFF630]  }
0x24b: {  	v12 =	vld [tilespmem:s10+$0x30];
	_ =	sdelay $0x2  }
0x24c: {  	v13 =	vsub.f32 v9, v10;
	v10 =	vmax.f32 v10, v5;
	v9 =	vmin.f32 v9, v3  }
0x24d: {  	v14 =	vmax.f32 v11, v1;
	v9 =	vsub.f32 v9, v10  }
0x24e: {  	v10 =	vsub.f32 v12, v11;
	v11 =	vmin.f32 v12, v2  }
0x24f: {  	v11 =	vsub.f32 v11, v14;
	v9 =	vmax.f32 v9, $0.0e+00  }
0x250: {  	v10 =	vmul.f32 v13, v10  }
0x251: {  	v11 =	vmax.f32 v11, $0.0e+00  }
0x252: {  	v9 =	vmul.f32 v9, v11;
	v10 =	vadd.f32 v10, v6;
	_ =	sdelay $0x1  }
0x253: {  	v10 =	vsub.f32 v10, v9;
	_ =	sdelay $0x1  }
0x254: {  	v10 =	vadd.f32 $9.999999710e-10, v10;
	_ =	sdelay $0x1  }
0x255: {  	(erf) = vrcp.f32 v10;
	_ =	sdelay $0x7  }
0x256: {  	v10 =	vld [tilespmem:s11+$0xFFFFFFF0]  }
0x257: {  	v11 =	vpop (erf)  }
0x258: {  	v9 =	vmul.f32 v11, v9;
	_ =	sdelay $0x1  }
0x259: {  	vm9 =	vle.f32 v9, v4  }
0x25a: {  	v9 =	vnsel vm9, $0xBF800000, v10  }
0x25b: {  	[tilespmem:s11+$0xFFFFFFF0] =	vst v9;
	vm9 =	vgt.f32 v9, v8  }
0x25c: {  	v8 =	vsel vm9, v9, v8;
	v9 =	vld [tilespmem:s10+$0x40]  }
0x25d: {  	v10 =	vld [tilespmem:s10+$0xFFFFFB40]  }
0x25e: {  	v11 =	vld [tilespmem:s10+$0x540]  }
0x25f: {  	v12 =	vld [tilespmem:s10+$0xFFFFF640];
	_ =	sdelay $0x2  }
0x260: {  	v13 =	vmax.f32 v10, v5  }
0x261: {  	v14 =	vmin.f32 v9, v2;
	v10 =	vsub.f32 v11, v10;
	v11 =	vmin.f32 v11, v3  }
0x262: {  	v9 =	vsub.f32 v9, v12;
	v12 =	vmax.f32 v12, v1;
	v11 =	vsub.f32 v11, v13  }
0x263: {  	v12 =	vsub.f32 v14, v12  }
0x264: {  	v9 =	vmul.f32 v10, v9;
	v10 =	vmax.f32 v11, $0.0e+00  }
0x265: {  	v11 =	vmax.f32 v12, $0.0e+00  }
0x266: {  	v10 =	vmul.f32 v10, v11;
	v9 =	vadd.f32 v9, v6;
	_ =	sdelay $0x1  }
0x267: {  	v9 =	vsub.f32 v9, v10;
	_ =	sdelay $0x1  }
0x268: {  	v9 =	vadd.f32 $9.999999710e-10, v9;
	_ =	sdelay $0x1  }
0x269: {  	(erf) = vrcp.f32 v9;
	_ =	sdelay $0x7  }
0x26a: {  	v9 =	vld [tilespmem:s11+$0x0]  }
0x26b: {  	v11 =	vpop (erf)  }
0x26c: {  	v10 =	vmul.f32 v11, v10;
	_ =	sdelay $0x1  }
0x26d: {  	vm10 =	vle.f32 v10, v4  }
0x26e: {  	v9 =	vnsel vm10, $0xBF800000, v9  }
0x26f: {  	[tilespmem:s11+$0x0] =	vst v9;
	vm10 =	vgt.f32 v9, v8  }
0x270: {  	v8 =	vsel vm10, v9, v8;
	v9 =	vld [tilespmem:s10+$0xFFFFFB50]  }
0x271: {  	v10 =	vld [tilespmem:s10+$0x50]  }
0x272: {  	v11 =	vld [tilespmem:s10+$0xFFFFF650]  }
0x273: {  	v12 =	vld [tilespmem:s10+$0x550];
	_ =	sdelay $0x2  }
0x274: {  	v13 =	vmax.f32 v9, v5  }
0x275: {  	v14 =	vsub.f32 v10, v11;
	v11 =	vmax.f32 v11, v1;
	v10 =	vmin.f32 v10, v2  }
0x276: {  	v9 =	vsub.f32 v12, v9;
	v12 =	vmin.f32 v12, v3;
	v10 =	vsub.f32 v10, v11  }
0x277: {  	v11 =	vsub.f32 v12, v13  }
0x278: {  	v9 =	vmul.f32 v9, v14;
	v10 =	vmax.f32 v10, $0.0e+00  }
0x279: {  	v11 =	vmax.f32 v11, $0.0e+00  }
0x27a: {  	v10 =	vmul.f32 v11, v10;
	v9 =	vadd.f32 v9, v6;
	_ =	sdelay $0x1  }
0x27b: {  	v9 =	vsub.f32 v9, v10;
	_ =	sdelay $0x1  }
0x27c: {  	v9 =	vadd.f32 $9.999999710e-10, v9;
	_ =	sdelay $0x1  }
0x27d: {  	(erf) = vrcp.f32 v9;
	_ =	sdelay $0x7  }
0x27e: {  	v9 =	vld [tilespmem:s11+$0x10]  }
0x27f: {  	v11 =	vpop (erf)  }
0x280: {  	v10 =	vmul.f32 v11, v10;
	_ =	sdelay $0x1  }
0x281: {  	vm11 =	vle.f32 v10, v4  }
0x282: {  	v9 =	vnsel vm11, $0xBF800000, v9  }
0x283: {  	[tilespmem:s11+$0x10] =	vst v9;
	vm11 =	vgt.f32 v9, v8  }
0x284: {  	v10 =	vld [tilespmem:s10+$0x560]  }
0x285: {  	v11 =	vld [tilespmem:s10+$0xFFFFFB60]  }
0x286: {  	v12 =	vld [tilespmem:s10+$0xFFFFF660]  }
0x287: {  	v13 =	vld [tilespmem:s10+$0x60];
	_ =	sdelay $0x2  }
0x288: {  	v14 =	vsub.f32 v10, v11;
	v11 =	vmax.f32 v11, v5;
	v10 =	vmin.f32 v10, v3  }
0x289: {  	v15 =	vmax.f32 v12, v1;
	v10 =	vsub.f32 v10, v11  }
0x28a: {  	v11 =	vsub.f32 v13, v12;
	v12 =	vmin.f32 v13, v2  }
0x28b: {  	v12 =	vsub.f32 v12, v15;
	v10 =	vmax.f32 v10, $0.0e+00  }
0x28c: {  	v11 =	vmul.f32 v14, v11  }
0x28d: {  	v12 =	vmax.f32 v12, $0.0e+00  }
0x28e: {  	v10 =	vmul.f32 v10, v12;
	v11 =	vadd.f32 v11, v6;
	_ =	sdelay $0x1  }
0x28f: {  	v11 =	vsub.f32 v11, v10;
	_ =	sdelay $0x1  }
0x290: {  	v11 =	vadd.f32 $9.999999710e-10, v11;
	_ =	sdelay $0x1  }
0x291: {  	(erf) = vrcp.f32 v11;
	_ =	sdelay $0x7  }
0x292: {  	v11 =	vld [tilespmem:s11+$0x20]  }
0x293: {  	v12 =	vpop (erf)  }
0x294: {  	v10 =	vmul.f32 v12, v10;
	_ =	sdelay $0x1  }
0x295: {  	vm12 =	vle.f32 v10, v4  }
0x296: {  	v9 =	vsel vm11, v9, v8;
	v8 =	vnsel vm12, $0xBF800000, v11  }
0x297: {  	[tilespmem:s11+$0x20] =	vst v8;
	vm12 =	vgt.f32 v8, v9  }
0x298: {  	v10 =	vld [tilespmem:s10+$0xFFFFF670]  }
0x299: {  	v11 =	vld [tilespmem:s10+$0xFFFFFB70]  }
0x29a: {  	v12 =	vld [tilespmem:s10+$0x570]  }
0x29b: {  	v13 =	vld [tilespmem:s10+$0x70];
	_ =	sdelay $0x2  }
0x29c: {  	v14 =	vmax.f32 v10, v1;
	v15 =	vmax.f32 v11, v5  }
.Ltmp2:
0x29d: {  	v11 =	vsub.f32 v12, v11;
	(pc) =	sbr.rel @p1 .LBB2_6-.Ltmp2, $4  }
0x29e: {  	v12 =	vmin.f32 v12, v3;
	v10 =	vsub.f32 v13, v10;
	v13 =	vmin.f32 v13, v2  }
0x29f: {  	v12 =	vsub.f32 v12, v15;
	v13 =	vsub.f32 v13, v14  }
0x2a0: {  	v10 =	vmul.f32 v11, v10  }
0x2a1: {  	v12 =	vmax.f32 v12, $0.0e+00;
	v11 =	vmax.f32 v13, $0.0e+00  }
0x2a2: {  	v1 =	vmul.f32 v12, v11;
	v2 =	vadd.f32 v10, v6;
	_ =	sdelay $0x1  }
0x2a3: {  	v2 =	vsub.f32 v2, v1;
	_ =	sdelay $0x1  }
0x2a4: {  	v2 =	vadd.f32 $9.999999710e-10, v2;
	_ =	sdelay $0x1  }
0x2a5: {  	(erf) = vrcp.f32 v2;
	_ =	sdelay $0x5  }
0x2a6: {  	s10 =	sadd.s32 s13, s4  }
0x2a7: {  	s11 =	sadd.s32 $0x10, s10;
	v2 =	vor.u32 s10, v0  }
0x2a8: {  	v5 =	vld [tilespmem:s12+$0x30];
	s13 =	sadd.s32 $0x20, s10;
	v3 =	vor.u32 s11, v0;
	v2 =	vsel vm6, v2, v7  }
0x2a9: {  	s5 =	sadd.s32 $0x1, s5;
	s29 =	sadd.s32 $0x30, s10;
	v2 =	vsel vm7, v3, v2;
	v3 =	vor.u32 s13, v0;
	v60 =	vpop (erf)  }
0x2aa: {  	s30 =	sadd.s32 $0x40, s10;
	s14 =	sadd.s32 $0x60, s10;
	p0 =	sne.s32 s5, $0x64;
	v2 =	vsel vm8, v3, v2;
	v3 =	vor.u32 s29, v0;
	v1 =	vmul.f32 v60, v1  }
.Ltmp3:
0x2ab: {  	s31 =	sadd.s32 $0x50, s10;
	v61 =	vor.u32 s14, v0;
	v2 =	vsel vm9, v3, v2;
	v3 =	vor.u32 s30, v0;
	(pc) =	sbr.rel @p0 .LBB2_5-.Ltmp3, $4  }
0x2ac: {  	v2 =	vsel vm10, v3, v2;
	v3 =	vor.u32 s31, v0;
	vm6 =	vle.f32 v1, v4  }
0x2ad: {  	s10 =	sadd.s32 $0x70, s10;
	v1 =	vsel vm11, v3, v2;
	v2 =	vsel vm12, v8, v9;
	v3 =	vnsel vm6, $0xBF800000, v5  }
0x2ae: {  	v63 =	vor.u32 s10, v0;
	v62 =	vsel vm12, v61, v1;
	vm6 =	vgt.f32 v3, v2  }
0x2af: {  	[tilespmem:s12+$0x30] =	vst v3;
	v1 =	vsel vm6, v3, v2;
	v2 =	vsel vm6, v63, v62  }
0x2b0: {  	s1 =	sld [smem:$0x7FD];
	_ =	sdelay $0x2  }
0x2b1: {  	p0 =	seq.s32 s1, $0x1  }
0x2b2: {  	_ =	sfence.sel @p0 $0x180000  }
0x2b3: {  	[bflag:$0x0] =	sbarrier.arrive @p0 $0xFFFF  }
0x2b4: {  	_ =	strace @p0 $0x90000047  }
0x2b5: {  	s1 =	simm.s32 @!p0 $0x0;
	s4 =	simm.s32 @!p0 $0x1B100;
	[bflag:$0x2] =	sbarrier.arrive @p0 $0xFFFF  }
0x2b6: {  	[hbm4b:s3+s1] =	stream.linear.scatter @!p0 [tilespmem:s4], [sflag:$0x1], $0x700, $0x38;
	[tilespmem:$0x1BF20] =	vst v63  }
0x2b7: {  	s3 =	simm.s32 @!p0 $0x1  }
0x2b8: {  	_ =	swait.ge @!p0 [sflag:s3], $0x700  }
0x2b9: {  	[sflag:s3] =	ssyncset.done @!p0 $0x0  }
0x2ba: {  	s4 =	simm.s32 @!p0 $0x1B800;
	[sflag:s3] =	ssyncadd.s32 @!p0 $0xFFFFF900  }
0x2bb: {  	[hbm4b:s2+s1] =	stream.linear.scatter @!p0 [tilespmem:s4], [sflag:$0x1], $0x700, $0x38;
	[tilespmem:$0x1BF20] =	vst v63  }
0x2bc: {  	_ =	swait.ge @!p0 [sflag:s3], $0x700  }
0x2bd: {  	[sflag:s3] =	ssyncset.done @!p0 $0x0  }
0x2be: {  	[sflag:s3] =	ssyncadd.s32 @!p0 $0xFFFFF900  }
0x2bf: {  	_ =	sfence.sel @!p0 $0x180000  }
0x2c0: {  	[bflag:$0x0] =	sbarrier.arrive @!p0 $0xFFFF  }
0x2c1: {  	_ =	strace @!p0 $0x90000047  }
0x2c2: {  	s0 =	sadd.s32 @!p0 $0x100000, s0;
	[bflag:$0x2] =	sbarrier.arrive @!p0 $0xFFFF  }
0x2c3: {  	[sflag:s0] =	ssyncadd.tile.s32 @!p0 $0x1;
	_ =	shalt  }
.Lfunc_end2:
_tile_overlayer_lowered:
.L_overlay_start_2:
0x2c4: {  	(tag) =	ssettag $0x2  }
0x2c5: {  	s0 =	rddreg [dreg:$0x0];
	s2 =	stileid.u32  }
0x2c6: {  	s1 =	rddreg [dreg:$0x1];
	p0 =	sne.s32 s2, $0x0  }
0x2c7: {  	s3 =	rddreg [dreg:$0x2];
	[bflag:$0x3] =	sbarrier.arrive $0xFFFF;
	s2 =	simm.s32 @!p0 $0x1C01  }
0x2c8: {  	[timem:s3], [sflag:s2] =	dma.local @!p0 [hbm:s0], s1  }
0x2c9: {  	s0 =	simm.s32 @!p0 $0x1  }
0x2ca: {  	_ =	swait.ge @!p0 [sflag:s0], s1  }
0x2cb: {  	s1 =	ssub.s32 @!p0 $0x0, s1;
	[sflag:s0] =	ssyncset.done @!p0 $0x0  }
0x2cc: {  	[sflag:s0] =	ssyncadd.s32 @!p0 s1  }
0x2cd: {  	[bflag:$0x3] =	sbarrier.arrive $0xFFFF  }
0x2ce: {  	_ =	shalt  }

</sc_bundles>
